<compile_context>
chip_gen: v7x
topology: tpu7x:2x2x1
jax: 0.10.2.dev20260603
libtpu: 0.0.44.dev20260713+nightly
codegen_flags: <defaults>
</compile_context>

<pallas_src>
import functools

import jax
import jax.numpy as jnp
from jax import lax
from jax.experimental import pallas as pl
from jax.experimental.pallas import tpu as pltpu
from jax.experimental.pallas import tpu_sc as plsc

NC = 2
NS = 16
NW = NC * NS
LANES = 16

CH = 128
NBR = 1024
NBN = 2048


def _sc_mesh():
    return plsc.VectorSubcoreMesh(
        core_axis_name="c", subcore_axis_name="s",
        num_cores=NC, num_subcores=NS)


def kernel(x, edge_index, W1, b1, W2, b2, W3, b3, Wd, bd):
    N, D = x.shape
    E = edge_index.shape[1]
    C = Wd.shape[1]

    N_pad = ((N + LANES + NBR - 1) // NBR) * NBR
    rows_per_tile = N_pad // NS
    K = (E + NW * CH - 1) // (NW * CH)
    E_pad = K * CH * NW

    src = edge_index[0].astype(jnp.int32)
    dst = edge_index[1].astype(jnp.int32)
    pad_ids = N + (jnp.arange(E_pad - E, dtype=jnp.int32) % LANES)
    src3 = jnp.concatenate([src, pad_ids]).reshape(NW, K, CH)
    dst3 = jnp.concatenate([dst, pad_ids]).reshape(NW, K, CH)
    x_pad = jnp.pad(x, ((0, N_pad - N), (0, 0)))
    zrows = jnp.zeros((rows_per_tile, D), jnp.float32)
    b1r, b2r, b3r = b1.reshape(1, D), b2.reshape(1, D), b3.reshape(1, D)
    bdr = bd.reshape(1, C)

    mesh = _sc_mesh()

    @functools.partial(
        pl.kernel,
        out_type=jax.ShapeDtypeStruct((2, NW, N_pad), jnp.float32),
        mesh=mesh,
        scratch_types=[
            pltpu.VMEM((K, CH), jnp.int32),
            pltpu.VMEM((K, CH), jnp.int32),
            pltpu.VMEM((N_pad,), jnp.float32),
            pltpu.VMEM((N_pad,), jnp.float32),
        ],
        compiler_params=pltpu.CompilerParams(needs_layout_passes=False),
    )
    def deg_kernel(src_hbm, dst_hbm, out_hbm, sidx, didx, hs, hd):
        c = lax.axis_index("c")
        s = lax.axis_index("s")
        wid = c * NS + s
        zeros16 = jnp.zeros((LANES,), jnp.float32)

        def zbody(i, _):
            hs[pl.ds(i * LANES, LANES)] = zeros16
            hd[pl.ds(i * LANES, LANES)] = zeros16
            return 0
        lax.fori_loop(0, N_pad // LANES, zbody, 0)

        pltpu.sync_copy(src_hbm.at[wid], sidx)
        pltpu.sync_copy(dst_hbm.at[wid], didx)
        ones16 = jnp.ones((LANES,), jnp.float32)

        def ebody(j, _):
            for k in range(CH // LANES):
                si = sidx[j, pl.ds(k * LANES, LANES)]
                di = didx[j, pl.ds(k * LANES, LANES)]
                plsc.addupdate_scatter(hs, [si], ones16)
                plsc.addupdate_scatter(hd, [di], ones16)
            return 0
        lax.fori_loop(0, K, ebody, 0)

        pltpu.sync_copy(hs, out_hbm.at[0, wid])
        pltpu.sync_copy(hd, out_hbm.at[1, wid])

    degpart = deg_kernel(src3, dst3)

    def norm_body(dp_ref, out_ref):
        s = jnp.sum(dp_ref[...], axis=1)
        out_ref[...] = lax.rsqrt(jnp.maximum(s, 1.0))

    norms_t = pl.pallas_call(
        norm_body,
        grid=(N_pad // NBN,),
        in_specs=[pl.BlockSpec((2, NW, NBN), lambda i: (0, 0, i))],
        out_specs=pl.BlockSpec((2, NBN), lambda i: (0, i)),
        out_shape=jax.ShapeDtypeStruct((2, N_pad), jnp.float32),
    )(degpart)
    norms = norms_t.T

    @functools.partial(
        pl.kernel,
        out_type=jax.ShapeDtypeStruct((NC, N_pad, D), jnp.float32),
        mesh=mesh,
        scratch_types=[
            pltpu.VMEM((K, CH), jnp.int32),
            pltpu.VMEM((K, CH), jnp.int32),
            pltpu.VMEM((CH, D), jnp.float32),
            pltpu.VMEM_SHARED((N_pad, D), jnp.float32),
            pltpu.SemaphoreType.DMA,
        ],
        compiler_params=pltpu.CompilerParams(needs_layout_passes=False),
    )
    def agg_kernel(h_hbm, src_hbm, dst_hbm, z_hbm, out_hbm,
                   sidx, didx, rows, aggm, sem):
        c = lax.axis_index("c")
        s = lax.axis_index("s")
        wid = c * NS + s
        base = s * rows_per_tile
        pltpu.sync_copy(z_hbm, aggm.at[pl.ds(base, rows_per_tile)])
        pltpu.sync_copy(src_hbm.at[wid], sidx)
        pltpu.sync_copy(dst_hbm.at[wid], didx)
        plsc.subcore_barrier()

        def ebody(j, _):
            pltpu.async_copy(h_hbm.at[sidx.at[j]], rows, sem).wait()
            pltpu.sync_copy(rows, aggm.at[didx.at[j]], add=True)
            return 0
        lax.fori_loop(0, K, ebody, 0)

        plsc.subcore_barrier()
        pltpu.sync_copy(aggm.at[pl.ds(base, rows_per_tile)],
                        out_hbm.at[c, pl.ds(base, rows_per_tile)])

    def mm_scale_body(x_ref, w_ref, nrm_ref, out_ref):
        ns = nrm_ref[...][:, 0:1]
        out_ref[...] = jnp.dot(x_ref[...], w_ref[...],
                               preferred_element_type=jnp.float32) * ns

    def mm_scale(h, W):
        return pl.pallas_call(
            mm_scale_body,
            grid=(N_pad // NBR,),
            in_specs=[
                pl.BlockSpec((NBR, D), lambda i: (i, 0)),
                pl.BlockSpec((D, D), lambda i: (0, 0)),
                pl.BlockSpec((NBR, 2), lambda i: (i, 0)),
            ],
            out_specs=pl.BlockSpec((NBR, D), lambda i: (i, 0)),
            out_shape=jax.ShapeDtypeStruct((N_pad, D), jnp.float32),
        )(h, W, norms)

    def epi_mm_body(ap_ref, nrm_ref, b_ref, w_ref, out_ref):
        i = pl.program_id(0)
        agg = ap_ref[0] + ap_ref[1]
        z = agg * nrm_ref[...][:, 1:2] + b_ref[...]
        h = jnp.where(z >= 0.0, z, 0.2 * z)
        row = i * NBR + lax.broadcasted_iota(jnp.int32, (NBR, 1), 0)
        h = jnp.where(row < N, h, 0.0)
        out_ref[...] = jnp.dot(h, w_ref[...],
                               preferred_element_type=jnp.float32) \
            * nrm_ref[...][:, 0:1]

    def epi_mm(ap, b_row, W):
        return pl.pallas_call(
            epi_mm_body,
            grid=(N_pad // NBR,),
            in_specs=[
                pl.BlockSpec((NC, NBR, D), lambda i: (0, i, 0)),
                pl.BlockSpec((NBR, 2), lambda i: (i, 0)),
                pl.BlockSpec((1, D), lambda i: (0, 0)),
                pl.BlockSpec((D, D), lambda i: (0, 0)),
            ],
            out_specs=pl.BlockSpec((NBR, D), lambda i: (i, 0)),
            out_shape=jax.ShapeDtypeStruct((N_pad, D), jnp.float32),
        )(ap, norms, b_row, W)

    def final_body(ap_ref, nrm_ref, b_ref, wd_ref, bd_ref, out_ref, acc_ref):
        i = pl.program_id(0)
        agg = ap_ref[0] + ap_ref[1]
        z = agg * nrm_ref[...][:, 1:2] + b_ref[...]
        h = jnp.where(z >= 0.0, z, 0.2 * z)
        row = i * NBR + lax.broadcasted_iota(jnp.int32, (NBR, 1), 0)
        h = jnp.where(row < N, h, 0.0)

        @pl.when(i == 0)
        def _():
            acc_ref[...] = jnp.zeros_like(acc_ref)
        acc_ref[...] += jnp.sum(h, axis=0, keepdims=True)

        @pl.when(i == N_pad // NBR - 1)
        def _():
            out_ref[...] = jnp.dot(acc_ref[...] * (1.0 / N), wd_ref[...],
                                   preferred_element_type=jnp.float32) \
                + bd_ref[...]

    def final(ap):
        return pl.pallas_call(
            final_body,
            grid=(N_pad // NBR,),
            in_specs=[
                pl.BlockSpec((NC, NBR, D), lambda i: (0, i, 0)),
                pl.BlockSpec((NBR, 2), lambda i: (i, 0)),
                pl.BlockSpec((1, D), lambda i: (0, 0)),
                pl.BlockSpec((D, C), lambda i: (0, 0)),
                pl.BlockSpec((1, C), lambda i: (0, 0)),
            ],
            out_specs=pl.BlockSpec((1, C), lambda i: (0, 0)),
            out_shape=jax.ShapeDtypeStruct((1, C), jnp.float32),
            scratch_shapes=[pltpu.VMEM((1, D), jnp.float32)],
        )(ap, norms, b3r, Wd, bdr)

    ht = mm_scale(x_pad, W1)
    ap = agg_kernel(ht, src3, dst3, zrows)
    ht = epi_mm(ap, b1r, W2)
    ap = agg_kernel(ht, src3, dst3, zrows)
    ht = epi_mm(ap, b2r, W3)
    ap = agg_kernel(ht, src3, dst3, zrows)
    return final(ap)

# --- scband reference (transcript-rebuilt; emitter-appended) ---
"""Pipeline reference for scband-gcn-27307402068240 (READ-ONLY COPY).

The authoritative reference and input builder live on the scoring server;
editing this copy changes nothing except your own understanding.
"""

import jax, jax.numpy as jnp
import numpy as np

N = 10000
E = 320000
D_IN = 128
D_H = 128
N_CLASSES = 40


def setup_inputs(seed: int = 0) -> dict:
    key = jax.random.key(seed)
    ks = jax.random.split(key, 12)
    x = jax.random.normal(ks[0], (N, D_IN), dtype=jnp.float32)
    edge_index = jax.random.randint(ks[1], (2, E), 0, N)
    W1 = jax.random.normal(ks[2], (D_IN, D_H), dtype=jnp.float32) * 0.05
    b1 = jnp.zeros((D_H,), dtype=jnp.float32)
    W2 = jax.random.normal(ks[3], (D_H, D_H), dtype=jnp.float32) * 0.05
    b2 = jnp.zeros((D_H,), dtype=jnp.float32)
    W3 = jax.random.normal(ks[4], (D_H, D_H), dtype=jnp.float32) * 0.05
    b3 = jnp.zeros((D_H,), dtype=jnp.float32)
    Wd = jax.random.normal(ks[5], (D_H, N_CLASSES), dtype=jnp.float32) * 0.05
    bd = jnp.zeros((N_CLASSES,), dtype=jnp.float32)
    return {"x": x, "edge_index": edge_index, "W1": W1, "b1": b1,
            "W2": W2, "b2": b2, "W3": W3, "b3": b3, "Wd": Wd, "bd": bd}


def _graph_conv(h, src, dst, W, b):
    # DGL GraphConv with norm='both': D^{-1/2} A D^{-1/2} (h W) + b
    ones = jnp.ones((src.shape[0],), dtype=jnp.float32)
    deg_out = jax.ops.segment_sum(ones, src, num_segments=N)
    deg_in = jax.ops.segment_sum(ones, dst, num_segments=N)
    norm_src = jax.lax.rsqrt(jnp.clip(deg_out, 1.0))
    norm_dst = jax.lax.rsqrt(jnp.clip(deg_in, 1.0))
    h = h @ W
    msg = jnp.take(h, src, axis=0) * jnp.take(norm_src, src)[:, None]
    agg = jax.ops.segment_sum(msg, dst, num_segments=N)
    agg = agg * norm_dst[:, None] + b
    return jax.nn.leaky_relu(agg, negative_slope=0.2)


def reference(x, edge_index, W1, b1, W2, b2, W3, b3, Wd, bd):
    src = edge_index[0]
    dst = edge_index[1]
    h = _graph_conv(x, src, dst, W1, b1)
    h = _graph_conv(h, src, dst, W2, b2)
    h = _graph_conv(h, src, dst, W3, b3)
    # dgl.mean_nodes over the single graph -> [1, D_H]
    hg = jnp.mean(h, axis=0, keepdims=True)
    out = hg @ Wd + bd
    return out

if __name__ == "__main__":
    import jax
    _d = setup_inputs()
    print(jax.jit(kernel)(*tuple(_d.values())))

</pallas_src>

<mosaic_0001>
#map = affine_map<(d0, d1) -> (0, 0)>
#map1 = affine_map<(d0, d1) -> (0, 0, 0)>
module attributes {stable_mosaic.version = 14 : i64} {
  func.func @agg_kernel(%arg0: i32, %arg1: i32, %arg2: memref<10240x128xf32, #tpu.memory_space<hbm>>, %arg3: memref<32x79x128xi32, #tpu.memory_space<hbm>>, %arg4: memref<32x79x128xi32, #tpu.memory_space<hbm>>, %arg5: memref<640x128xf32, #tpu.memory_space<hbm>>, %arg6: memref<2x10240x128xf32, #tpu.memory_space<hbm>>, %arg7: memref<79x128xi32, #tpu.memory_space<vmem>>, %arg8: memref<79x128xi32, #tpu.memory_space<vmem>>, %arg9: memref<128x128xf32, #tpu.memory_space<vmem>>, %arg10: memref<10240x128xf32, #tpu.memory_space<vmem_shared>>, %arg11: memref<!tpu.dma_semaphore, #tpu.memory_space<semaphore_mem>>) attributes {dimension_semantics = [#tpu.dimension_semantics<core_parallel>, #tpu.dimension_semantics<subcore_parallel>], iteration_bounds = array<i64: 2, 16>, scalar_prefetch = 0 : i64, scratch_operands = 5 : i64, tpu.core_type = #tpu.core_type<sc_vector_subcore>, window_params = [{transform_indices = #map}, {transform_indices = #map1}, {transform_indices = #map1}, {transform_indices = #map}, {transform_indices = #map1}]} {
    %mul3A = arith.constant 16 : i32
    %mul3A_0 = arith.muli %arg0, %mul3A : i32
    %add3A = arith.addi %mul3A_0, %arg1 : i32
    %mul3A_1 = arith.constant 640 : i32
    %mul3A_2 = arith.muli %arg1, %mul3A_1 : i32
    "tpu.region"() ({
      %run_scoped3A = tpu.sem_alloc : memref<!tpu.dma_semaphore, #tpu.memory_space<semaphore_mem>>
      %dma_start3A = arith.constant 0 : i32
      %dma_start3A_10 = tpu.memref_slice %arg10[%mul3A_2, %dma_start3A] : memref<10240x128xf32, #tpu.memory_space<vmem_shared>> -> memref<640x128xf32, #tpu.memory_space<vmem_shared>>
      tpu.enqueue_dma source(%arg5 : memref<640x128xf32, #tpu.memory_space<hbm>>) target(%dma_start3A_10 : memref<640x128xf32, #tpu.memory_space<vmem_shared>>) target_semaphore(%run_scoped3A : memref<!tpu.dma_semaphore, #tpu.memory_space<semaphore_mem>>)
      %dma_wait3A = arith.constant 0 : i32
      %dma_wait3A_11 = tpu.memref_slice %arg10[%mul3A_2, %dma_wait3A] : memref<10240x128xf32, #tpu.memory_space<vmem_shared>> -> memref<640x128xf32, #tpu.memory_space<vmem_shared>>
      tpu.wait_dma2 semaphore(%run_scoped3A : memref<!tpu.dma_semaphore, #tpu.memory_space<semaphore_mem>>) src(%arg5 : memref<640x128xf32, #tpu.memory_space<hbm>>) dst(%dma_wait3A_11 : memref<640x128xf32, #tpu.memory_space<vmem_shared>>)
      tpu.yield
    }) : () -> ()
    "tpu.region"() ({
      %run_scoped3A = tpu.sem_alloc : memref<!tpu.dma_semaphore, #tpu.memory_space<semaphore_mem>>
      %dma_start3A = arith.constant 0 : i32
      %dma_start3A_10 = arith.constant 0 : i32
      %dma_start3A_11 = tpu.memref_slice %arg3[%add3A, %dma_start3A, %dma_start3A_10] : memref<32x79x128xi32, #tpu.memory_space<hbm>> -> memref<1x79x128xi32, #tpu.memory_space<hbm>>
      %dma_start3A_12 = tpu.memref_squeeze %dma_start3A_11 : memref<1x79x128xi32, #tpu.memory_space<hbm>> -> memref<79x128xi32, #tpu.memory_space<hbm>>
      %dma_start3A_13 = arith.constant 0 : i32
      %dma_start3A_14 = arith.constant 0 : i32
      %dma_start3A_15 = tpu.memref_slice %arg3[%add3A, %dma_start3A_13, %dma_start3A_14] : memref<32x79x128xi32, #tpu.memory_space<hbm>> -> memref<1x79x128xi32, #tpu.memory_space<hbm>>
      %dma_start3A_16 = tpu.memref_squeeze %dma_start3A_15 : memref<1x79x128xi32, #tpu.memory_space<hbm>> -> memref<79x128xi32, #tpu.memory_space<hbm>>
      tpu.enqueue_dma source(%dma_start3A_16 : memref<79x128xi32, #tpu.memory_space<hbm>>) target(%arg7 : memref<79x128xi32, #tpu.memory_space<vmem>>) target_semaphore(%run_scoped3A : memref<!tpu.dma_semaphore, #tpu.memory_space<semaphore_mem>>)
      %dma_wait3A = arith.constant 0 : i32
      %dma_wait3A_17 = arith.constant 0 : i32
      %dma_wait3A_18 = tpu.memref_slice %arg3[%add3A, %dma_wait3A, %dma_wait3A_17] : memref<32x79x128xi32, #tpu.memory_space<hbm>> -> memref<1x79x128xi32, #tpu.memory_space<hbm>>
      %dma_wait3A_19 = tpu.memref_squeeze %dma_wait3A_18 : memref<1x79x128xi32, #tpu.memory_space<hbm>> -> memref<79x128xi32, #tpu.memory_space<hbm>>
      %dma_wait3A_20 = arith.constant 0 : i32
      %dma_wait3A_21 = arith.constant 0 : i32
      %dma_wait3A_22 = tpu.memref_slice %arg3[%add3A, %dma_wait3A_20, %dma_wait3A_21] : memref<32x79x128xi32, #tpu.memory_space<hbm>> -> memref<1x79x128xi32, #tpu.memory_space<hbm>>
      %dma_wait3A_23 = tpu.memref_squeeze %dma_wait3A_22 : memref<1x79x128xi32, #tpu.memory_space<hbm>> -> memref<79x128xi32, #tpu.memory_space<hbm>>
      tpu.wait_dma2 semaphore(%run_scoped3A : memref<!tpu.dma_semaphore, #tpu.memory_space<semaphore_mem>>) src(%dma_wait3A_23 : memref<79x128xi32, #tpu.memory_space<hbm>>) dst(%arg7 : memref<79x128xi32, #tpu.memory_space<vmem>>)
      tpu.yield
    }) : () -> ()
    "tpu.region"() ({
      %run_scoped3A = tpu.sem_alloc : memref<!tpu.dma_semaphore, #tpu.memory_space<semaphore_mem>>
      %dma_start3A = arith.constant 0 : i32
      %dma_start3A_10 = arith.constant 0 : i32
      %dma_start3A_11 = tpu.memref_slice %arg4[%add3A, %dma_start3A, %dma_start3A_10] : memref<32x79x128xi32, #tpu.memory_space<hbm>> -> memref<1x79x128xi32, #tpu.memory_space<hbm>>
      %dma_start3A_12 = tpu.memref_squeeze %dma_start3A_11 : memref<1x79x128xi32, #tpu.memory_space<hbm>> -> memref<79x128xi32, #tpu.memory_space<hbm>>
      %dma_start3A_13 = arith.constant 0 : i32
      %dma_start3A_14 = arith.constant 0 : i32
      %dma_start3A_15 = tpu.memref_slice %arg4[%add3A, %dma_start3A_13, %dma_start3A_14] : memref<32x79x128xi32, #tpu.memory_space<hbm>> -> memref<1x79x128xi32, #tpu.memory_space<hbm>>
      %dma_start3A_16 = tpu.memref_squeeze %dma_start3A_15 : memref<1x79x128xi32, #tpu.memory_space<hbm>> -> memref<79x128xi32, #tpu.memory_space<hbm>>
      tpu.enqueue_dma source(%dma_start3A_16 : memref<79x128xi32, #tpu.memory_space<hbm>>) target(%arg8 : memref<79x128xi32, #tpu.memory_space<vmem>>) target_semaphore(%run_scoped3A : memref<!tpu.dma_semaphore, #tpu.memory_space<semaphore_mem>>)
      %dma_wait3A = arith.constant 0 : i32
      %dma_wait3A_17 = arith.constant 0 : i32
      %dma_wait3A_18 = tpu.memref_slice %arg4[%add3A, %dma_wait3A, %dma_wait3A_17] : memref<32x79x128xi32, #tpu.memory_space<hbm>> -> memref<1x79x128xi32, #tpu.memory_space<hbm>>
      %dma_wait3A_19 = tpu.memref_squeeze %dma_wait3A_18 : memref<1x79x128xi32, #tpu.memory_space<hbm>> -> memref<79x128xi32, #tpu.memory_space<hbm>>
      %dma_wait3A_20 = arith.constant 0 : i32
      %dma_wait3A_21 = arith.constant 0 : i32
      %dma_wait3A_22 = tpu.memref_slice %arg4[%add3A, %dma_wait3A_20, %dma_wait3A_21] : memref<32x79x128xi32, #tpu.memory_space<hbm>> -> memref<1x79x128xi32, #tpu.memory_space<hbm>>
      %dma_wait3A_23 = tpu.memref_squeeze %dma_wait3A_22 : memref<1x79x128xi32, #tpu.memory_space<hbm>> -> memref<79x128xi32, #tpu.memory_space<hbm>>
      tpu.wait_dma2 semaphore(%run_scoped3A : memref<!tpu.dma_semaphore, #tpu.memory_space<semaphore_mem>>) src(%dma_wait3A_23 : memref<79x128xi32, #tpu.memory_space<hbm>>) dst(%arg8 : memref<79x128xi32, #tpu.memory_space<vmem>>)
      tpu.yield
    }) : () -> ()
    %barrier3A = arith.constant 0 : index
    tpu.barrier barrier_id(%barrier3A)
    %scan3A = arith.constant 0 : i32
    %scan3A_3 = arith.constant 0 : i32
    %scan3A_4 = arith.constant 79 : i32
    %scan3A_5 = arith.addi %scan3A_3, %scan3A_4 : i32
    %scan3A_6 = arith.constant 1 : i32
    %scan3A_7 = scf.for %scan3A_10 = %scan3A_3 to %scan3A_5 step %scan3A_6 iter_args(%scan3A_11 = %scan3A) -> (i32)  : i32 {
      %dma_start3A = arith.constant 0 : i32
      %dma_start3A_12 = tpu.memref_slice %arg7[%scan3A_10, %dma_start3A] : memref<79x128xi32, #tpu.memory_space<vmem>> -> memref<1x128xi32, #tpu.memory_space<vmem>>
      %dma_start3A_13 = tpu.memref_squeeze %dma_start3A_12 : memref<1x128xi32, #tpu.memory_space<vmem>> -> memref<128xi32, #tpu.memory_space<vmem>>
      %dma_start3A_14 = arith.constant 0 : i32
      %dma_start3A_15 = arith.constant 0 : i32
      %dma_start3A_16 = tpu.memref_slice %arg2[%dma_start3A_14, %dma_start3A_15] : memref<10240x128xf32, #tpu.memory_space<hbm>> -> memref<10240x128xf32, #tpu.memory_space<hbm>>
      tpu.enqueue_indirect_dma source(%dma_start3A_16 : memref<10240x128xf32, #tpu.memory_space<hbm>>) target(%arg9 : memref<128x128xf32, #tpu.memory_space<vmem>>) offsets(%dma_start3A_13 : memref<128xi32, #tpu.memory_space<vmem>>) semaphore(%arg11 : memref<!tpu.dma_semaphore, #tpu.memory_space<semaphore_mem>>)
      %dma_wait3A = arith.constant 0 : i32
      %dma_wait3A_17 = tpu.memref_slice %arg7[%scan3A_10, %dma_wait3A] : memref<79x128xi32, #tpu.memory_space<vmem>> -> memref<1x128xi32, #tpu.memory_space<vmem>>
      %dma_wait3A_18 = tpu.memref_squeeze %dma_wait3A_17 : memref<1x128xi32, #tpu.memory_space<vmem>> -> memref<128xi32, #tpu.memory_space<vmem>>
      %dma_wait3A_19 = arith.constant 0 : i32
      %dma_wait3A_20 = arith.constant 0 : i32
      %dma_wait3A_21 = tpu.memref_slice %arg2[%dma_wait3A_19, %dma_wait3A_20] : memref<10240x128xf32, #tpu.memory_space<hbm>> -> memref<10240x128xf32, #tpu.memory_space<hbm>>
      tpu.wait_indirect_dma semaphore(%arg11 : memref<!tpu.dma_semaphore, #tpu.memory_space<semaphore_mem>>) src(%dma_wait3A_21 : memref<10240x128xf32, #tpu.memory_space<hbm>>) dst(%arg9 : memref<128x128xf32, #tpu.memory_space<vmem>>)
      "tpu.region"() ({
        %run_scoped3A = tpu.sem_alloc : memref<!tpu.dma_semaphore, #tpu.memory_space<semaphore_mem>>
        %dma_start3A_23 = arith.constant 0 : i32
        %dma_start3A_24 = tpu.memref_slice %arg8[%scan3A_10, %dma_start3A_23] : memref<79x128xi32, #tpu.memory_space<vmem>> -> memref<1x128xi32, #tpu.memory_space<vmem>>
        %dma_start3A_25 = tpu.memref_squeeze %dma_start3A_24 : memref<1x128xi32, #tpu.memory_space<vmem>> -> memref<128xi32, #tpu.memory_space<vmem>>
        %dma_start3A_26 = arith.constant 0 : i32
        %dma_start3A_27 = arith.constant 0 : i32
        %dma_start3A_28 = tpu.memref_slice %arg10[%dma_start3A_26, %dma_start3A_27] : memref<10240x128xf32, #tpu.memory_space<vmem_shared>> -> memref<10240x128xf32, #tpu.memory_space<vmem_shared>>
        tpu.enqueue_indirect_dma source(%arg9 : memref<128x128xf32, #tpu.memory_space<vmem>>) target(%dma_start3A_28 : memref<10240x128xf32, #tpu.memory_space<vmem_shared>>) offsets(%dma_start3A_25 : memref<128xi32, #tpu.memory_space<vmem>>) semaphore(%run_scoped3A : memref<!tpu.dma_semaphore, #tpu.memory_space<semaphore_mem>>) {add = true}
        %dma_wait3A_29 = arith.constant 0 : i32
        %dma_wait3A_30 = tpu.memref_slice %arg8[%scan3A_10, %dma_wait3A_29] : memref<79x128xi32, #tpu.memory_space<vmem>> -> memref<1x128xi32, #tpu.memory_space<vmem>>
        %dma_wait3A_31 = tpu.memref_squeeze %dma_wait3A_30 : memref<1x128xi32, #tpu.memory_space<vmem>> -> memref<128xi32, #tpu.memory_space<vmem>>
        %dma_wait3A_32 = arith.constant 0 : i32
        %dma_wait3A_33 = arith.constant 0 : i32
        %dma_wait3A_34 = tpu.memref_slice %arg10[%dma_wait3A_32, %dma_wait3A_33] : memref<10240x128xf32, #tpu.memory_space<vmem_shared>> -> memref<10240x128xf32, #tpu.memory_space<vmem_shared>>
        tpu.wait_indirect_dma semaphore(%run_scoped3A : memref<!tpu.dma_semaphore, #tpu.memory_space<semaphore_mem>>) src(%arg9 : memref<128x128xf32, #tpu.memory_space<vmem>>) dst(%dma_wait3A_34 : memref<10240x128xf32, #tpu.memory_space<vmem_shared>>)
        tpu.yield
      }) : () -> ()
      %scan3A_22 = arith.constant 0 : i32
      scf.yield %scan3A_22 : i32
    }
    %scan3A_8 = arith.constant 79 : i32
    %barrier3A_9 = arith.constant 0 : index
    tpu.barrier barrier_id(%barrier3A_9)
    "tpu.region"() ({
      %run_scoped3A = tpu.sem_alloc : memref<!tpu.dma_semaphore, #tpu.memory_space<semaphore_mem>>
      %dma_start3A = arith.constant 0 : i32
      %dma_start3A_10 = tpu.memref_slice %arg6[%arg0, %mul3A_2, %dma_start3A] : memref<2x10240x128xf32, #tpu.memory_space<hbm>> -> memref<1x640x128xf32, #tpu.memory_space<hbm>>
      %dma_start3A_11 = tpu.memref_squeeze %dma_start3A_10 : memref<1x640x128xf32, #tpu.memory_space<hbm>> -> memref<640x128xf32, #tpu.memory_space<hbm>>
      %dma_start3A_12 = arith.constant 0 : i32
      %dma_start3A_13 = tpu.memref_slice %arg10[%mul3A_2, %dma_start3A_12] : memref<10240x128xf32, #tpu.memory_space<vmem_shared>> -> memref<640x128xf32, #tpu.memory_space<vmem_shared>>
      tpu.enqueue_dma source(%dma_start3A_13 : memref<640x128xf32, #tpu.memory_space<vmem_shared>>) target(%dma_start3A_11 : memref<640x128xf32, #tpu.memory_space<hbm>>) target_semaphore(%run_scoped3A : memref<!tpu.dma_semaphore, #tpu.memory_space<semaphore_mem>>)
      %dma_wait3A = arith.constant 0 : i32
      %dma_wait3A_14 = tpu.memref_slice %arg6[%arg0, %mul3A_2, %dma_wait3A] : memref<2x10240x128xf32, #tpu.memory_space<hbm>> -> memref<1x640x128xf32, #tpu.memory_space<hbm>>
      %dma_wait3A_15 = tpu.memref_squeeze %dma_wait3A_14 : memref<1x640x128xf32, #tpu.memory_space<hbm>> -> memref<640x128xf32, #tpu.memory_space<hbm>>
      %dma_wait3A_16 = arith.constant 0 : i32
      %dma_wait3A_17 = tpu.memref_slice %arg10[%mul3A_2, %dma_wait3A_16] : memref<10240x128xf32, #tpu.memory_space<vmem_shared>> -> memref<640x128xf32, #tpu.memory_space<vmem_shared>>
      tpu.wait_dma2 semaphore(%run_scoped3A : memref<!tpu.dma_semaphore, #tpu.memory_space<semaphore_mem>>) src(%dma_wait3A_17 : memref<640x128xf32, #tpu.memory_space<vmem_shared>>) dst(%dma_wait3A_15 : memref<640x128xf32, #tpu.memory_space<hbm>>)
      tpu.yield
    }) : () -> ()
    return
  }
}

#map = affine_map<(d0, d1) -> (0, 0, 0)>
module attributes {stable_mosaic.version = 14 : i64} {
  func.func @deg_kernel(%arg0: i32, %arg1: i32, %arg2: memref<32x79x128xi32, #tpu.memory_space<hbm>>, %arg3: memref<32x79x128xi32, #tpu.memory_space<hbm>>, %arg4: memref<2x32x10240xf32, #tpu.memory_space<hbm>>, %arg5: memref<79x128xi32, #tpu.memory_space<vmem>>, %arg6: memref<79x128xi32, #tpu.memory_space<vmem>>, %arg7: memref<10240xf32, #tpu.memory_space<vmem>>, %arg8: memref<10240xf32, #tpu.memory_space<vmem>>) attributes {dimension_semantics = [#tpu.dimension_semantics<core_parallel>, #tpu.dimension_semantics<subcore_parallel>], iteration_bounds = array<i64: 2, 16>, scalar_prefetch = 0 : i64, scratch_operands = 4 : i64, tpu.core_type = #tpu.core_type<sc_vector_subcore>, window_params = [{transform_indices = #map}, {transform_indices = #map}, {transform_indices = #map}]} {
    %mul3A = arith.constant 16 : i32
    %mul3A_0 = arith.muli %arg0, %mul3A : i32
    %add3A = arith.addi %mul3A_0, %arg1 : i32
    %broadcast_in_dim3A = arith.constant 0.000000e+00 : f32
    %broadcast_in_dim3A_1 = vector.broadcast %broadcast_in_dim3A : f32 to vector<16xf32>
    %scan3A = arith.constant 0 : i32
    %scan3A_2 = arith.constant 0 : i32
    %scan3A_3 = arith.constant 640 : i32
    %scan3A_4 = arith.addi %scan3A_2, %scan3A_3 : i32
    %scan3A_5 = arith.constant 1 : i32
    %scan3A_6 = scf.for %scan3A_18 = %scan3A_2 to %scan3A_4 step %scan3A_5 iter_args(%scan3A_19 = %scan3A) -> (i32)  : i32 {
      %mul3A_20 = arith.constant 16 : i32
      %mul3A_21 = arith.muli %scan3A_18, %mul3A_20 : i32
      %swap3A = arith.index_cast %mul3A_21 : i32 to index
      %swap3A_22 = tpu.vector_load %arg7[%swap3A] {strides = array<i32>} : memref<10240xf32, #tpu.memory_space<vmem>>, vector<16xf32>,
      tpu.vector_store %arg7[%swap3A], %broadcast_in_dim3A_1 {strides = array<i32>} : memref<10240xf32, #tpu.memory_space<vmem>>, vector<16xf32>,
      %mul3A_23 = arith.constant 16 : i32
      %mul3A_24 = arith.muli %scan3A_18, %mul3A_23 : i32
      %swap3A_25 = arith.index_cast %mul3A_24 : i32 to index
      %swap3A_26 = tpu.vector_load %arg8[%swap3A_25] {strides = array<i32>} : memref<10240xf32, #tpu.memory_space<vmem>>, vector<16xf32>,
      tpu.vector_store %arg8[%swap3A_25], %broadcast_in_dim3A_1 {strides = array<i32>} : memref<10240xf32, #tpu.memory_space<vmem>>, vector<16xf32>,
      %scan3A_27 = arith.constant 0 : i32
      scf.yield %scan3A_27 : i32
    }
    %scan3A_7 = arith.constant 640 : i32
    "tpu.region"() ({
      %run_scoped3A_18 = tpu.sem_alloc : memref<!tpu.dma_semaphore, #tpu.memory_space<semaphore_mem>>
      %dma_start3A = arith.constant 0 : i32
      %dma_start3A_19 = arith.constant 0 : i32
      %dma_start3A_20 = tpu.memref_slice %arg2[%add3A, %dma_start3A, %dma_start3A_19] : memref<32x79x128xi32, #tpu.memory_space<hbm>> -> memref<1x79x128xi32, #tpu.memory_space<hbm>>
      %dma_start3A_21 = tpu.memref_squeeze %dma_start3A_20 : memref<1x79x128xi32, #tpu.memory_space<hbm>> -> memref<79x128xi32, #tpu.memory_space<hbm>>
      %dma_start3A_22 = arith.constant 0 : i32
      %dma_start3A_23 = arith.constant 0 : i32
      %dma_start3A_24 = tpu.memref_slice %arg2[%add3A, %dma_start3A_22, %dma_start3A_23] : memref<32x79x128xi32, #tpu.memory_space<hbm>> -> memref<1x79x128xi32, #tpu.memory_space<hbm>>
      %dma_start3A_25 = tpu.memref_squeeze %dma_start3A_24 : memref<1x79x128xi32, #tpu.memory_space<hbm>> -> memref<79x128xi32, #tpu.memory_space<hbm>>
      tpu.enqueue_dma source(%dma_start3A_25 : memref<79x128xi32, #tpu.memory_space<hbm>>) target(%arg5 : memref<79x128xi32, #tpu.memory_space<vmem>>) target_semaphore(%run_scoped3A_18 : memref<!tpu.dma_semaphore, #tpu.memory_space<semaphore_mem>>)
      %dma_wait3A = arith.constant 0 : i32
      %dma_wait3A_26 = arith.constant 0 : i32
      %dma_wait3A_27 = tpu.memref_slice %arg2[%add3A, %dma_wait3A, %dma_wait3A_26] : memref<32x79x128xi32, #tpu.memory_space<hbm>> -> memref<1x79x128xi32, #tpu.memory_space<hbm>>
      %dma_wait3A_28 = tpu.memref_squeeze %dma_wait3A_27 : memref<1x79x128xi32, #tpu.memory_space<hbm>> -> memref<79x128xi32, #tpu.memory_space<hbm>>
      %dma_wait3A_29 = arith.constant 0 : i32
      %dma_wait3A_30 = arith.constant 0 : i32
      %dma_wait3A_31 = tpu.memref_slice %arg2[%add3A, %dma_wait3A_29, %dma_wait3A_30] : memref<32x79x128xi32, #tpu.memory_space<hbm>> -> memref<1x79x128xi32, #tpu.memory_space<hbm>>
      %dma_wait3A_32 = tpu.memref_squeeze %dma_wait3A_31 : memref<1x79x128xi32, #tpu.memory_space<hbm>> -> memref<79x128xi32, #tpu.memory_space<hbm>>
      tpu.wait_dma2 semaphore(%run_scoped3A_18 : memref<!tpu.dma_semaphore, #tpu.memory_space<semaphore_mem>>) src(%dma_wait3A_32 : memref<79x128xi32, #tpu.memory_space<hbm>>) dst(%arg5 : memref<79x128xi32, #tpu.memory_space<vmem>>)
      tpu.yield
    }) : () -> ()
    "tpu.region"() ({
      %run_scoped3A_18 = tpu.sem_alloc : memref<!tpu.dma_semaphore, #tpu.memory_space<semaphore_mem>>
      %dma_start3A = arith.constant 0 : i32
      %dma_start3A_19 = arith.constant 0 : i32
      %dma_start3A_20 = tpu.memref_slice %arg3[%add3A, %dma_start3A, %dma_start3A_19] : memref<32x79x128xi32, #tpu.memory_space<hbm>> -> memref<1x79x128xi32, #tpu.memory_space<hbm>>
      %dma_start3A_21 = tpu.memref_squeeze %dma_start3A_20 : memref<1x79x128xi32, #tpu.memory_space<hbm>> -> memref<79x128xi32, #tpu.memory_space<hbm>>
      %dma_start3A_22 = arith.constant 0 : i32
      %dma_start3A_23 = arith.constant 0 : i32
      %dma_start3A_24 = tpu.memref_slice %arg3[%add3A, %dma_start3A_22, %dma_start3A_23] : memref<32x79x128xi32, #tpu.memory_space<hbm>> -> memref<1x79x128xi32, #tpu.memory_space<hbm>>
      %dma_start3A_25 = tpu.memref_squeeze %dma_start3A_24 : memref<1x79x128xi32, #tpu.memory_space<hbm>> -> memref<79x128xi32, #tpu.memory_space<hbm>>
      tpu.enqueue_dma source(%dma_start3A_25 : memref<79x128xi32, #tpu.memory_space<hbm>>) target(%arg6 : memref<79x128xi32, #tpu.memory_space<vmem>>) target_semaphore(%run_scoped3A_18 : memref<!tpu.dma_semaphore, #tpu.memory_space<semaphore_mem>>)
      %dma_wait3A = arith.constant 0 : i32
      %dma_wait3A_26 = arith.constant 0 : i32
      %dma_wait3A_27 = tpu.memref_slice %arg3[%add3A, %dma_wait3A, %dma_wait3A_26] : memref<32x79x128xi32, #tpu.memory_space<hbm>> -> memref<1x79x128xi32, #tpu.memory_space<hbm>>
      %dma_wait3A_28 = tpu.memref_squeeze %dma_wait3A_27 : memref<1x79x128xi32, #tpu.memory_space<hbm>> -> memref<79x128xi32, #tpu.memory_space<hbm>>
      %dma_wait3A_29 = arith.constant 0 : i32
      %dma_wait3A_30 = arith.constant 0 : i32
      %dma_wait3A_31 = tpu.memref_slice %arg3[%add3A, %dma_wait3A_29, %dma_wait3A_30] : memref<32x79x128xi32, #tpu.memory_space<hbm>> -> memref<1x79x128xi32, #tpu.memory_space<hbm>>
      %dma_wait3A_32 = tpu.memref_squeeze %dma_wait3A_31 : memref<1x79x128xi32, #tpu.memory_space<hbm>> -> memref<79x128xi32, #tpu.memory_space<hbm>>
      tpu.wait_dma2 semaphore(%run_scoped3A_18 : memref<!tpu.dma_semaphore, #tpu.memory_space<semaphore_mem>>) src(%dma_wait3A_32 : memref<79x128xi32, #tpu.memory_space<hbm>>) dst(%arg6 : memref<79x128xi32, #tpu.memory_space<vmem>>)
      tpu.yield
    }) : () -> ()
    %broadcast_in_dim3A_8 = arith.constant 1.000000e+00 : f32
    %broadcast_in_dim3A_9 = vector.broadcast %broadcast_in_dim3A_8 : f32 to vector<16xf32>
    %scan3A_10 = arith.constant 0 : i32
    %scan3A_11 = arith.constant 0 : i32
    %scan3A_12 = arith.constant 79 : i32
    %scan3A_13 = arith.addi %scan3A_11, %scan3A_12 : i32
    %scan3A_14 = arith.constant 1 : i32
    %scan3A_15 = scf.for %scan3A_18 = %scan3A_11 to %scan3A_13 step %scan3A_14 iter_args(%scan3A_19 = %scan3A_10) -> (i32)  : i32 {
      %get3A = arith.index_cast %scan3A_18 : i32 to index
      %get3A_20 = arith.constant 0 : index
      %get3A_21 = tpu.vector_load %arg5[%get3A, %get3A_20] {strides = array<i32>} : memref<79x128xi32, #tpu.memory_space<vmem>>, vector<16xi32>,
      %get3A_22 = arith.index_cast %scan3A_18 : i32 to index
      %get3A_23 = arith.constant 0 : index
      %get3A_24 = tpu.vector_load %arg6[%get3A_22, %get3A_23] {strides = array<i32>} : memref<79x128xi32, #tpu.memory_space<vmem>>, vector<16xi32>,
      tpu.vector_store_idx %arg7[%get3A_21], %broadcast_in_dim3A_9 {add = true} : memref<10240xf32, #tpu.memory_space<vmem>>[vector<16xi32>], vector<16xf32>,
      tpu.vector_store_idx %arg8[%get3A_24], %broadcast_in_dim3A_9 {add = true} : memref<10240xf32, #tpu.memory_space<vmem>>[vector<16xi32>], vector<16xf32>,
      %get3A_25 = arith.index_cast %scan3A_18 : i32 to index
      %get3A_26 = arith.constant 16 : index
      %get3A_27 = tpu.vector_load %arg5[%get3A_25, %get3A_26] {strides = array<i32>} : memref<79x128xi32, #tpu.memory_space<vmem>>, vector<16xi32>,
      %get3A_28 = arith.index_cast %scan3A_18 : i32 to index
      %get3A_29 = arith.constant 16 : index
      %get3A_30 = tpu.vector_load %arg6[%get3A_28, %get3A_29] {strides = array<i32>} : memref<79x128xi32, #tpu.memory_space<vmem>>, vector<16xi32>,
      tpu.vector_store_idx %arg7[%get3A_27], %broadcast_in_dim3A_9 {add = true} : memref<10240xf32, #tpu.memory_space<vmem>>[vector<16xi32>], vector<16xf32>,
      tpu.vector_store_idx %arg8[%get3A_30], %broadcast_in_dim3A_9 {add = true} : memref<10240xf32, #tpu.memory_space<vmem>>[vector<16xi32>], vector<16xf32>,
      %get3A_31 = arith.index_cast %scan3A_18 : i32 to index
      %get3A_32 = arith.constant 32 : index
      %get3A_33 = tpu.vector_load %arg5[%get3A_31, %get3A_32] {strides = array<i32>} : memref<79x128xi32, #tpu.memory_space<vmem>>, vector<16xi32>,
      %get3A_34 = arith.index_cast %scan3A_18 : i32 to index
      %get3A_35 = arith.constant 32 : index
      %get3A_36 = tpu.vector_load %arg6[%get3A_34, %get3A_35] {strides = array<i32>} : memref<79x128xi32, #tpu.memory_space<vmem>>, vector<16xi32>,
      tpu.vector_store_idx %arg7[%get3A_33], %broadcast_in_dim3A_9 {add = true} : memref<10240xf32, #tpu.memory_space<vmem>>[vector<16xi32>], vector<16xf32>,
      tpu.vector_store_idx %arg8[%get3A_36], %broadcast_in_dim3A_9 {add = true} : memref<10240xf32, #tpu.memory_space<vmem>>[vector<16xi32>], vector<16xf32>,
      %get3A_37 = arith.index_cast %scan3A_18 : i32 to index
      %get3A_38 = arith.constant 48 : index
      %get3A_39 = tpu.vector_load %arg5[%get3A_37, %get3A_38] {strides = array<i32>} : memref<79x128xi32, #tpu.memory_space<vmem>>, vector<16xi32>,
      %get3A_40 = arith.index_cast %scan3A_18 : i32 to index
      %get3A_41 = arith.constant 48 : index
      %get3A_42 = tpu.vector_load %arg6[%get3A_40, %get3A_41] {strides = array<i32>} : memref<79x128xi32, #tpu.memory_space<vmem>>, vector<16xi32>,
      tpu.vector_store_idx %arg7[%get3A_39], %broadcast_in_dim3A_9 {add = true} : memref<10240xf32, #tpu.memory_space<vmem>>[vector<16xi32>], vector<16xf32>,
      tpu.vector_store_idx %arg8[%get3A_42], %broadcast_in_dim3A_9 {add = true} : memref<10240xf32, #tpu.memory_space<vmem>>[vector<16xi32>], vector<16xf32>,
      %get3A_43 = arith.index_cast %scan3A_18 : i32 to index
      %get3A_44 = arith.constant 64 : index
      %get3A_45 = tpu.vector_load %arg5[%get3A_43, %get3A_44] {strides = array<i32>} : memref<79x128xi32, #tpu.memory_space<vmem>>, vector<16xi32>,
      %get3A_46 = arith.index_cast %scan3A_18 : i32 to index
      %get3A_47 = arith.constant 64 : index
      %get3A_48 = tpu.vector_load %arg6[%get3A_46, %get3A_47] {strides = array<i32>} : memref<79x128xi32, #tpu.memory_space<vmem>>, vector<16xi32>,
      tpu.vector_store_idx %arg7[%get3A_45], %broadcast_in_dim3A_9 {add = true} : memref<10240xf32, #tpu.memory_space<vmem>>[vector<16xi32>], vector<16xf32>,
      tpu.vector_store_idx %arg8[%get3A_48], %broadcast_in_dim3A_9 {add = true} : memref<10240xf32, #tpu.memory_space<vmem>>[vector<16xi32>], vector<16xf32>,
      %get3A_49 = arith.index_cast %scan3A_18 : i32 to index
      %get3A_50 = arith.constant 80 : index
      %get3A_51 = tpu.vector_load %arg5[%get3A_49, %get3A_50] {strides = array<i32>} : memref<79x128xi32, #tpu.memory_space<vmem>>, vector<16xi32>,
      %get3A_52 = arith.index_cast %scan3A_18 : i32 to index
      %get3A_53 = arith.constant 80 : index
      %get3A_54 = tpu.vector_load %arg6[%get3A_52, %get3A_53] {strides = array<i32>} : memref<79x128xi32, #tpu.memory_space<vmem>>, vector<16xi32>,
      tpu.vector_store_idx %arg7[%get3A_51], %broadcast_in_dim3A_9 {add = true} : memref<10240xf32, #tpu.memory_space<vmem>>[vector<16xi32>], vector<16xf32>,
      tpu.vector_store_idx %arg8[%get3A_54], %broadcast_in_dim3A_9 {add = true} : memref<10240xf32, #tpu.memory_space<vmem>>[vector<16xi32>], vector<16xf32>,
      %get3A_55 = arith.index_cast %scan3A_18 : i32 to index
      %get3A_56 = arith.constant 96 : index
      %get3A_57 = tpu.vector_load %arg5[%get3A_55, %get3A_56] {strides = array<i32>} : memref<79x128xi32, #tpu.memory_space<vmem>>, vector<16xi32>,
      %get3A_58 = arith.index_cast %scan3A_18 : i32 to index
      %get3A_59 = arith.constant 96 : index
      %get3A_60 = tpu.vector_load %arg6[%get3A_58, %get3A_59] {strides = array<i32>} : memref<79x128xi32, #tpu.memory_space<vmem>>, vector<16xi32>,
      tpu.vector_store_idx %arg7[%get3A_57], %broadcast_in_dim3A_9 {add = true} : memref<10240xf32, #tpu.memory_space<vmem>>[vector<16xi32>], vector<16xf32>,
      tpu.vector_store_idx %arg8[%get3A_60], %broadcast_in_dim3A_9 {add = true} : memref<10240xf32, #tpu.memory_space<vmem>>[vector<16xi32>], vector<16xf32>,
      %get3A_61 = arith.index_cast %scan3A_18 : i32 to index
      %get3A_62 = arith.constant 112 : index
      %get3A_63 = tpu.vector_load %arg5[%get3A_61, %get3A_62] {strides = array<i32>} : memref<79x128xi32, #tpu.memory_space<vmem>>, vector<16xi32>,
      %get3A_64 = arith.index_cast %scan3A_18 : i32 to index
      %get3A_65 = arith.constant 112 : index
      %get3A_66 = tpu.vector_load %arg6[%get3A_64, %get3A_65] {strides = array<i32>} : memref<79x128xi32, #tpu.memory_space<vmem>>, vector<16xi32>,
      tpu.vector_store_idx %arg7[%get3A_63], %broadcast_in_dim3A_9 {add = true} : memref<10240xf32, #tpu.memory_space<vmem>>[vector<16xi32>], vector<16xf32>,
      tpu.vector_store_idx %arg8[%get3A_66], %broadcast_in_dim3A_9 {add = true} : memref<10240xf32, #tpu.memory_space<vmem>>[vector<16xi32>], vector<16xf32>,
      %scan3A_67 = arith.constant 0 : i32
      scf.yield %scan3A_67 : i32
    }
    %scan3A_16 = arith.constant 79 : i32
    %run_scoped3A = arith.constant 0 : i32
    "tpu.region"() ({
      %run_scoped3A_18 = tpu.sem_alloc : memref<!tpu.dma_semaphore, #tpu.memory_space<semaphore_mem>>
      %dma_start3A = arith.constant 0 : i32
      %dma_start3A_19 = tpu.memref_slice %arg4[%run_scoped3A, %add3A, %dma_start3A] : memref<2x32x10240xf32, #tpu.memory_space<hbm>> -> memref<1x1x10240xf32, #tpu.memory_space<hbm>>
      %dma_start3A_20 = tpu.memref_squeeze %dma_start3A_19 : memref<1x1x10240xf32, #tpu.memory_space<hbm>> -> memref<10240xf32, #tpu.memory_space<hbm>>
      %dma_start3A_21 = arith.constant 0 : i32
      %dma_start3A_22 = tpu.memref_slice %arg4[%run_scoped3A, %add3A, %dma_start3A_21] : memref<2x32x10240xf32, #tpu.memory_space<hbm>> -> memref<1x1x10240xf32, #tpu.memory_space<hbm>>
      %dma_start3A_23 = tpu.memref_squeeze %dma_start3A_22 : memref<1x1x10240xf32, #tpu.memory_space<hbm>> -> memref<10240xf32, #tpu.memory_space<hbm>>
      tpu.enqueue_dma source(%arg7 : memref<10240xf32, #tpu.memory_space<vmem>>) target(%dma_start3A_23 : memref<10240xf32, #tpu.memory_space<hbm>>) target_semaphore(%run_scoped3A_18 : memref<!tpu.dma_semaphore, #tpu.memory_space<semaphore_mem>>)
      %dma_wait3A = arith.constant 0 : i32
      %dma_wait3A_24 = tpu.memref_slice %arg4[%run_scoped3A, %add3A, %dma_wait3A] : memref<2x32x10240xf32, #tpu.memory_space<hbm>> -> memref<1x1x10240xf32, #tpu.memory_space<hbm>>
      %dma_wait3A_25 = tpu.memref_squeeze %dma_wait3A_24 : memref<1x1x10240xf32, #tpu.memory_space<hbm>> -> memref<10240xf32, #tpu.memory_space<hbm>>
      %dma_wait3A_26 = arith.constant 0 : i32
      %dma_wait3A_27 = tpu.memref_slice %arg4[%run_scoped3A, %add3A, %dma_wait3A_26] : memref<2x32x10240xf32, #tpu.memory_space<hbm>> -> memref<1x1x10240xf32, #tpu.memory_space<hbm>>
      %dma_wait3A_28 = tpu.memref_squeeze %dma_wait3A_27 : memref<1x1x10240xf32, #tpu.memory_space<hbm>> -> memref<10240xf32, #tpu.memory_space<hbm>>
      tpu.wait_dma2 semaphore(%run_scoped3A_18 : memref<!tpu.dma_semaphore, #tpu.memory_space<semaphore_mem>>) src(%arg7 : memref<10240xf32, #tpu.memory_space<vmem>>) dst(%dma_wait3A_28 : memref<10240xf32, #tpu.memory_space<hbm>>)
      tpu.yield
    }) : () -> ()
    %run_scoped3A_17 = arith.constant 1 : i32
    "tpu.region"() ({
      %run_scoped3A_18 = tpu.sem_alloc : memref<!tpu.dma_semaphore, #tpu.memory_space<semaphore_mem>>
      %dma_start3A = arith.constant 0 : i32
      %dma_start3A_19 = tpu.memref_slice %arg4[%run_scoped3A_17, %add3A, %dma_start3A] : memref<2x32x10240xf32, #tpu.memory_space<hbm>> -> memref<1x1x10240xf32, #tpu.memory_space<hbm>>
      %dma_start3A_20 = tpu.memref_squeeze %dma_start3A_19 : memref<1x1x10240xf32, #tpu.memory_space<hbm>> -> memref<10240xf32, #tpu.memory_space<hbm>>
      %dma_start3A_21 = arith.constant 0 : i32
      %dma_start3A_22 = tpu.memref_slice %arg4[%run_scoped3A_17, %add3A, %dma_start3A_21] : memref<2x32x10240xf32, #tpu.memory_space<hbm>> -> memref<1x1x10240xf32, #tpu.memory_space<hbm>>
      %dma_start3A_23 = tpu.memref_squeeze %dma_start3A_22 : memref<1x1x10240xf32, #tpu.memory_space<hbm>> -> memref<10240xf32, #tpu.memory_space<hbm>>
      tpu.enqueue_dma source(%arg8 : memref<10240xf32, #tpu.memory_space<vmem>>) target(%dma_start3A_23 : memref<10240xf32, #tpu.memory_space<hbm>>) target_semaphore(%run_scoped3A_18 : memref<!tpu.dma_semaphore, #tpu.memory_space<semaphore_mem>>)
      %dma_wait3A = arith.constant 0 : i32
      %dma_wait3A_24 = tpu.memref_slice %arg4[%run_scoped3A_17, %add3A, %dma_wait3A] : memref<2x32x10240xf32, #tpu.memory_space<hbm>> -> memref<1x1x10240xf32, #tpu.memory_space<hbm>>
      %dma_wait3A_25 = tpu.memref_squeeze %dma_wait3A_24 : memref<1x1x10240xf32, #tpu.memory_space<hbm>> -> memref<10240xf32, #tpu.memory_space<hbm>>
      %dma_wait3A_26 = arith.constant 0 : i32
      %dma_wait3A_27 = tpu.memref_slice %arg4[%run_scoped3A_17, %add3A, %dma_wait3A_26] : memref<2x32x10240xf32, #tpu.memory_space<hbm>> -> memref<1x1x10240xf32, #tpu.memory_space<hbm>>
      %dma_wait3A_28 = tpu.memref_squeeze %dma_wait3A_27 : memref<1x1x10240xf32, #tpu.memory_space<hbm>> -> memref<10240xf32, #tpu.memory_space<hbm>>
      tpu.wait_dma2 semaphore(%run_scoped3A_18 : memref<!tpu.dma_semaphore, #tpu.memory_space<semaphore_mem>>) src(%arg8 : memref<10240xf32, #tpu.memory_space<vmem>>) dst(%dma_wait3A_28 : memref<10240xf32, #tpu.memory_space<hbm>>)
      tpu.yield
    }) : () -> ()
    return
  }
}

#map = affine_map<(d0, d1) -> (0, 0)>
#map1 = affine_map<(d0, d1) -> (0, 0, 0)>
module attributes {stable_mosaic.version = 14 : i64} {
  func.func @agg_kernel(%arg0: i32, %arg1: i32, %arg2: memref<10240x128xf32, #tpu.memory_space<hbm>>, %arg3: memref<32x79x128xi32, #tpu.memory_space<hbm>>, %arg4: memref<32x79x128xi32, #tpu.memory_space<hbm>>, %arg5: memref<640x128xf32, #tpu.memory_space<hbm>>, %arg6: memref<2x10240x128xf32, #tpu.memory_space<hbm>>, %arg7: memref<79x128xi32, #tpu.memory_space<vmem>>, %arg8: memref<79x128xi32, #tpu.memory_space<vmem>>, %arg9: memref<128x128xf32, #tpu.memory_space<vmem>>, %arg10: memref<10240x128xf32, #tpu.memory_space<vmem_shared>>, %arg11: memref<!tpu.dma_semaphore, #tpu.memory_space<semaphore_mem>>) attributes {dimension_semantics = [#tpu.dimension_semantics<core_parallel>, #tpu.dimension_semantics<subcore_parallel>], iteration_bounds = array<i64: 2, 16>, scalar_prefetch = 0 : i64, scratch_operands = 5 : i64, tpu.core_type = #tpu.core_type<sc_vector_subcore>, window_params = [{transform_indices = #map}, {transform_indices = #map1}, {transform_indices = #map1}, {transform_indices = #map}, {transform_indices = #map1}]} {
    %mul3A = arith.constant 16 : i32
    %mul3A_0 = arith.muli %arg0, %mul3A : i32
    %add3A = arith.addi %mul3A_0, %arg1 : i32
    %mul3A_1 = arith.constant 640 : i32
    %mul3A_2 = arith.muli %arg1, %mul3A_1 : i32
    "tpu.region"() ({
      %run_scoped3A = tpu.sem_alloc : memref<!tpu.dma_semaphore, #tpu.memory_space<semaphore_mem>>
      %dma_start3A = arith.constant 0 : i32
      %dma_start3A_10 = tpu.memref_slice %arg10[%mul3A_2, %dma_start3A] : memref<10240x128xf32, #tpu.memory_space<vmem_shared>> -> memref<640x128xf32, #tpu.memory_space<vmem_shared>>
      tpu.enqueue_dma source(%arg5 : memref<640x128xf32, #tpu.memory_space<hbm>>) target(%dma_start3A_10 : memref<640x128xf32, #tpu.memory_space<vmem_shared>>) target_semaphore(%run_scoped3A : memref<!tpu.dma_semaphore, #tpu.memory_space<semaphore_mem>>)
      %dma_wait3A = arith.constant 0 : i32
      %dma_wait3A_11 = tpu.memref_slice %arg10[%mul3A_2, %dma_wait3A] : memref<10240x128xf32, #tpu.memory_space<vmem_shared>> -> memref<640x128xf32, #tpu.memory_space<vmem_shared>>
      tpu.wait_dma2 semaphore(%run_scoped3A : memref<!tpu.dma_semaphore, #tpu.memory_space<semaphore_mem>>) src(%arg5 : memref<640x128xf32, #tpu.memory_space<hbm>>) dst(%dma_wait3A_11 : memref<640x128xf32, #tpu.memory_space<vmem_shared>>)
      tpu.yield
    }) : () -> ()
    "tpu.region"() ({
      %run_scoped3A = tpu.sem_alloc : memref<!tpu.dma_semaphore, #tpu.memory_space<semaphore_mem>>
      %dma_start3A = arith.constant 0 : i32
      %dma_start3A_10 = arith.constant 0 : i32
      %dma_start3A_11 = tpu.memref_slice %arg3[%add3A, %dma_start3A, %dma_start3A_10] : memref<32x79x128xi32, #tpu.memory_space<hbm>> -> memref<1x79x128xi32, #tpu.memory_space<hbm>>
      %dma_start3A_12 = tpu.memref_squeeze %dma_start3A_11 : memref<1x79x128xi32, #tpu.memory_space<hbm>> -> memref<79x128xi32, #tpu.memory_space<hbm>>
      %dma_start3A_13 = arith.constant 0 : i32
      %dma_start3A_14 = arith.constant 0 : i32
      %dma_start3A_15 = tpu.memref_slice %arg3[%add3A, %dma_start3A_13, %dma_start3A_14] : memref<32x79x128xi32, #tpu.memory_space<hbm>> -> memref<1x79x128xi32, #tpu.memory_space<hbm>>
      %dma_start3A_16 = tpu.memref_squeeze %dma_start3A_15 : memref<1x79x128xi32, #tpu.memory_space<hbm>> -> memref<79x128xi32, #tpu.memory_space<hbm>>
      tpu.enqueue_dma source(%dma_start3A_16 : memref<79x128xi32, #tpu.memory_space<hbm>>) target(%arg7 : memref<79x128xi32, #tpu.memory_space<vmem>>) target_semaphore(%run_scoped3A : memref<!tpu.dma_semaphore, #tpu.memory_space<semaphore_mem>>)
      %dma_wait3A = arith.constant 0 : i32
      %dma_wait3A_17 = arith.constant 0 : i32
      %dma_wait3A_18 = tpu.memref_slice %arg3[%add3A, %dma_wait3A, %dma_wait3A_17] : memref<32x79x128xi32, #tpu.memory_space<hbm>> -> memref<1x79x128xi32, #tpu.memory_space<hbm>>
      %dma_wait3A_19 = tpu.memref_squeeze %dma_wait3A_18 : memref<1x79x128xi32, #tpu.memory_space<hbm>> -> memref<79x128xi32, #tpu.memory_space<hbm>>
      %dma_wait3A_20 = arith.constant 0 : i32
      %dma_wait3A_21 = arith.constant 0 : i32
      %dma_wait3A_22 = tpu.memref_slice %arg3[%add3A, %dma_wait3A_20, %dma_wait3A_21] : memref<32x79x128xi32, #tpu.memory_space<hbm>> -> memref<1x79x128xi32, #tpu.memory_space<hbm>>
      %dma_wait3A_23 = tpu.memref_squeeze %dma_wait3A_22 : memref<1x79x128xi32, #tpu.memory_space<hbm>> -> memref<79x128xi32, #tpu.memory_space<hbm>>
      tpu.wait_dma2 semaphore(%run_scoped3A : memref<!tpu.dma_semaphore, #tpu.memory_space<semaphore_mem>>) src(%dma_wait3A_23 : memref<79x128xi32, #tpu.memory_space<hbm>>) dst(%arg7 : memref<79x128xi32, #tpu.memory_space<vmem>>)
      tpu.yield
    }) : () -> ()
    "tpu.region"() ({
      %run_scoped3A = tpu.sem_alloc : memref<!tpu.dma_semaphore, #tpu.memory_space<semaphore_mem>>
      %dma_start3A = arith.constant 0 : i32
      %dma_start3A_10 = arith.constant 0 : i32
      %dma_start3A_11 = tpu.memref_slice %arg4[%add3A, %dma_start3A, %dma_start3A_10] : memref<32x79x128xi32, #tpu.memory_space<hbm>> -> memref<1x79x128xi32, #tpu.memory_space<hbm>>
      %dma_start3A_12 = tpu.memref_squeeze %dma_start3A_11 : memref<1x79x128xi32, #tpu.memory_space<hbm>> -> memref<79x128xi32, #tpu.memory_space<hbm>>
      %dma_start3A_13 = arith.constant 0 : i32
      %dma_start3A_14 = arith.constant 0 : i32
      %dma_start3A_15 = tpu.memref_slice %arg4[%add3A, %dma_start3A_13, %dma_start3A_14] : memref<32x79x128xi32, #tpu.memory_space<hbm>> -> memref<1x79x128xi32, #tpu.memory_space<hbm>>
      %dma_start3A_16 = tpu.memref_squeeze %dma_start3A_15 : memref<1x79x128xi32, #tpu.memory_space<hbm>> -> memref<79x128xi32, #tpu.memory_space<hbm>>
      tpu.enqueue_dma source(%dma_start3A_16 : memref<79x128xi32, #tpu.memory_space<hbm>>) target(%arg8 : memref<79x128xi32, #tpu.memory_space<vmem>>) target_semaphore(%run_scoped3A : memref<!tpu.dma_semaphore, #tpu.memory_space<semaphore_mem>>)
      %dma_wait3A = arith.constant 0 : i32
      %dma_wait3A_17 = arith.constant 0 : i32
      %dma_wait3A_18 = tpu.memref_slice %arg4[%add3A, %dma_wait3A, %dma_wait3A_17] : memref<32x79x128xi32, #tpu.memory_space<hbm>> -> memref<1x79x128xi32, #tpu.memory_space<hbm>>
      %dma_wait3A_19 = tpu.memref_squeeze %dma_wait3A_18 : memref<1x79x128xi32, #tpu.memory_space<hbm>> -> memref<79x128xi32, #tpu.memory_space<hbm>>
      %dma_wait3A_20 = arith.constant 0 : i32
      %dma_wait3A_21 = arith.constant 0 : i32
      %dma_wait3A_22 = tpu.memref_slice %arg4[%add3A, %dma_wait3A_20, %dma_wait3A_21] : memref<32x79x128xi32, #tpu.memory_space<hbm>> -> memref<1x79x128xi32, #tpu.memory_space<hbm>>
      %dma_wait3A_23 = tpu.memref_squeeze %dma_wait3A_22 : memref<1x79x128xi32, #tpu.memory_space<hbm>> -> memref<79x128xi32, #tpu.memory_space<hbm>>
      tpu.wait_dma2 semaphore(%run_scoped3A : memref<!tpu.dma_semaphore, #tpu.memory_space<semaphore_mem>>) src(%dma_wait3A_23 : memref<79x128xi32, #tpu.memory_space<hbm>>) dst(%arg8 : memref<79x128xi32, #tpu.memory_space<vmem>>)
      tpu.yield
    }) : () -> ()
    %barrier3A = arith.constant 0 : index
    tpu.barrier barrier_id(%barrier3A)
    %scan3A = arith.constant 0 : i32
    %scan3A_3 = arith.constant 0 : i32
    %scan3A_4 = arith.constant 79 : i32
    %scan3A_5 = arith.addi %scan3A_3, %scan3A_4 : i32
    %scan3A_6 = arith.constant 1 : i32
    %scan3A_7 = scf.for %scan3A_10 = %scan3A_3 to %scan3A_5 step %scan3A_6 iter_args(%scan3A_11 = %scan3A) -> (i32)  : i32 {
      %dma_start3A = arith.constant 0 : i32
      %dma_start3A_12 = tpu.memref_slice %arg7[%scan3A_10, %dma_start3A] : memref<79x128xi32, #tpu.memory_space<vmem>> -> memref<1x128xi32, #tpu.memory_space<vmem>>
      %dma_start3A_13 = tpu.memref_squeeze %dma_start3A_12 : memref<1x128xi32, #tpu.memory_space<vmem>> -> memref<128xi32, #tpu.memory_space<vmem>>
      %dma_start3A_14 = arith.constant 0 : i32
      %dma_start3A_15 = arith.constant 0 : i32
      %dma_start3A_16 = tpu.memref_slice %arg2[%dma_start3A_14, %dma_start3A_15] : memref<10240x128xf32, #tpu.memory_space<hbm>> -> memref<10240x128xf32, #tpu.memory_space<hbm>>
      tpu.enqueue_indirect_dma source(%dma_start3A_16 : memref<10240x128xf32, #tpu.memory_space<hbm>>) target(%arg9 : memref<128x128xf32, #tpu.memory_space<vmem>>) offsets(%dma_start3A_13 : memref<128xi32, #tpu.memory_space<vmem>>) semaphore(%arg11 : memref<!tpu.dma_semaphore, #tpu.memory_space<semaphore_mem>>)
      %dma_wait3A = arith.constant 0 : i32
      %dma_wait3A_17 = tpu.memref_slice %arg7[%scan3A_10, %dma_wait3A] : memref<79x128xi32, #tpu.memory_space<vmem>> -> memref<1x128xi32, #tpu.memory_space<vmem>>
      %dma_wait3A_18 = tpu.memref_squeeze %dma_wait3A_17 : memref<1x128xi32, #tpu.memory_space<vmem>> -> memref<128xi32, #tpu.memory_space<vmem>>
      %dma_wait3A_19 = arith.constant 0 : i32
      %dma_wait3A_20 = arith.constant 0 : i32
      %dma_wait3A_21 = tpu.memref_slice %arg2[%dma_wait3A_19, %dma_wait3A_20] : memref<10240x128xf32, #tpu.memory_space<hbm>> -> memref<10240x128xf32, #tpu.memory_space<hbm>>
      tpu.wait_indirect_dma semaphore(%arg11 : memref<!tpu.dma_semaphore, #tpu.memory_space<semaphore_mem>>) src(%dma_wait3A_21 : memref<10240x128xf32, #tpu.memory_space<hbm>>) dst(%arg9 : memref<128x128xf32, #tpu.memory_space<vmem>>)
      "tpu.region"() ({
        %run_scoped3A = tpu.sem_alloc : memref<!tpu.dma_semaphore, #tpu.memory_space<semaphore_mem>>
        %dma_start3A_23 = arith.constant 0 : i32
        %dma_start3A_24 = tpu.memref_slice %arg8[%scan3A_10, %dma_start3A_23] : memref<79x128xi32, #tpu.memory_space<vmem>> -> memref<1x128xi32, #tpu.memory_space<vmem>>
        %dma_start3A_25 = tpu.memref_squeeze %dma_start3A_24 : memref<1x128xi32, #tpu.memory_space<vmem>> -> memref<128xi32, #tpu.memory_space<vmem>>
        %dma_start3A_26 = arith.constant 0 : i32
        %dma_start3A_27 = arith.constant 0 : i32
        %dma_start3A_28 = tpu.memref_slice %arg10[%dma_start3A_26, %dma_start3A_27] : memref<10240x128xf32, #tpu.memory_space<vmem_shared>> -> memref<10240x128xf32, #tpu.memory_space<vmem_shared>>
        tpu.enqueue_indirect_dma source(%arg9 : memref<128x128xf32, #tpu.memory_space<vmem>>) target(%dma_start3A_28 : memref<10240x128xf32, #tpu.memory_space<vmem_shared>>) offsets(%dma_start3A_25 : memref<128xi32, #tpu.memory_space<vmem>>) semaphore(%run_scoped3A : memref<!tpu.dma_semaphore, #tpu.memory_space<semaphore_mem>>) {add = true}
        %dma_wait3A_29 = arith.constant 0 : i32
        %dma_wait3A_30 = tpu.memref_slice %arg8[%scan3A_10, %dma_wait3A_29] : memref<79x128xi32, #tpu.memory_space<vmem>> -> memref<1x128xi32, #tpu.memory_space<vmem>>
        %dma_wait3A_31 = tpu.memref_squeeze %dma_wait3A_30 : memref<1x128xi32, #tpu.memory_space<vmem>> -> memref<128xi32, #tpu.memory_space<vmem>>
        %dma_wait3A_32 = arith.constant 0 : i32
        %dma_wait3A_33 = arith.constant 0 : i32
        %dma_wait3A_34 = tpu.memref_slice %arg10[%dma_wait3A_32, %dma_wait3A_33] : memref<10240x128xf32, #tpu.memory_space<vmem_shared>> -> memref<10240x128xf32, #tpu.memory_space<vmem_shared>>
        tpu.wait_indirect_dma semaphore(%run_scoped3A : memref<!tpu.dma_semaphore, #tpu.memory_space<semaphore_mem>>) src(%arg9 : memref<128x128xf32, #tpu.memory_space<vmem>>) dst(%dma_wait3A_34 : memref<10240x128xf32, #tpu.memory_space<vmem_shared>>)
        tpu.yield
      }) : () -> ()
      %scan3A_22 = arith.constant 0 : i32
      scf.yield %scan3A_22 : i32
    }
    %scan3A_8 = arith.constant 79 : i32
    %barrier3A_9 = arith.constant 0 : index
    tpu.barrier barrier_id(%barrier3A_9)
    "tpu.region"() ({
      %run_scoped3A = tpu.sem_alloc : memref<!tpu.dma_semaphore, #tpu.memory_space<semaphore_mem>>
      %dma_start3A = arith.constant 0 : i32
      %dma_start3A_10 = tpu.memref_slice %arg6[%arg0, %mul3A_2, %dma_start3A] : memref<2x10240x128xf32, #tpu.memory_space<hbm>> -> memref<1x640x128xf32, #tpu.memory_space<hbm>>
      %dma_start3A_11 = tpu.memref_squeeze %dma_start3A_10 : memref<1x640x128xf32, #tpu.memory_space<hbm>> -> memref<640x128xf32, #tpu.memory_space<hbm>>
      %dma_start3A_12 = arith.constant 0 : i32
      %dma_start3A_13 = tpu.memref_slice %arg10[%mul3A_2, %dma_start3A_12] : memref<10240x128xf32, #tpu.memory_space<vmem_shared>> -> memref<640x128xf32, #tpu.memory_space<vmem_shared>>
      tpu.enqueue_dma source(%dma_start3A_13 : memref<640x128xf32, #tpu.memory_space<vmem_shared>>) target(%dma_start3A_11 : memref<640x128xf32, #tpu.memory_space<hbm>>) target_semaphore(%run_scoped3A : memref<!tpu.dma_semaphore, #tpu.memory_space<semaphore_mem>>)
      %dma_wait3A = arith.constant 0 : i32
      %dma_wait3A_14 = tpu.memref_slice %arg6[%arg0, %mul3A_2, %dma_wait3A] : memref<2x10240x128xf32, #tpu.memory_space<hbm>> -> memref<1x640x128xf32, #tpu.memory_space<hbm>>
      %dma_wait3A_15 = tpu.memref_squeeze %dma_wait3A_14 : memref<1x640x128xf32, #tpu.memory_space<hbm>> -> memref<640x128xf32, #tpu.memory_space<hbm>>
      %dma_wait3A_16 = arith.constant 0 : i32
      %dma_wait3A_17 = tpu.memref_slice %arg10[%mul3A_2, %dma_wait3A_16] : memref<10240x128xf32, #tpu.memory_space<vmem_shared>> -> memref<640x128xf32, #tpu.memory_space<vmem_shared>>
      tpu.wait_dma2 semaphore(%run_scoped3A : memref<!tpu.dma_semaphore, #tpu.memory_space<semaphore_mem>>) src(%dma_wait3A_17 : memref<640x128xf32, #tpu.memory_space<vmem_shared>>) dst(%dma_wait3A_15 : memref<640x128xf32, #tpu.memory_space<hbm>>)
      tpu.yield
    }) : () -> ()
    return
  }
}

#map = affine_map<(d0, d1) -> (0, 0)>
#map1 = affine_map<(d0, d1) -> (0, 0, 0)>
module attributes {stable_mosaic.version = 14 : i64} {
  func.func @agg_kernel(%arg0: i32, %arg1: i32, %arg2: memref<10240x128xf32, #tpu.memory_space<hbm>>, %arg3: memref<32x79x128xi32, #tpu.memory_space<hbm>>, %arg4: memref<32x79x128xi32, #tpu.memory_space<hbm>>, %arg5: memref<640x128xf32, #tpu.memory_space<hbm>>, %arg6: memref<2x10240x128xf32, #tpu.memory_space<hbm>>, %arg7: memref<79x128xi32, #tpu.memory_space<vmem>>, %arg8: memref<79x128xi32, #tpu.memory_space<vmem>>, %arg9: memref<128x128xf32, #tpu.memory_space<vmem>>, %arg10: memref<10240x128xf32, #tpu.memory_space<vmem_shared>>, %arg11: memref<!tpu.dma_semaphore, #tpu.memory_space<semaphore_mem>>) attributes {dimension_semantics = [#tpu.dimension_semantics<core_parallel>, #tpu.dimension_semantics<subcore_parallel>], iteration_bounds = array<i64: 2, 16>, scalar_prefetch = 0 : i64, scratch_operands = 5 : i64, tpu.core_type = #tpu.core_type<sc_vector_subcore>, window_params = [{transform_indices = #map}, {transform_indices = #map1}, {transform_indices = #map1}, {transform_indices = #map}, {transform_indices = #map1}]} {
    %mul3A = arith.constant 16 : i32
    %mul3A_0 = arith.muli %arg0, %mul3A : i32
    %add3A = arith.addi %mul3A_0, %arg1 : i32
    %mul3A_1 = arith.constant 640 : i32
    %mul3A_2 = arith.muli %arg1, %mul3A_1 : i32
    "tpu.region"() ({
      %run_scoped3A = tpu.sem_alloc : memref<!tpu.dma_semaphore, #tpu.memory_space<semaphore_mem>>
      %dma_start3A = arith.constant 0 : i32
      %dma_start3A_10 = tpu.memref_slice %arg10[%mul3A_2, %dma_start3A] : memref<10240x128xf32, #tpu.memory_space<vmem_shared>> -> memref<640x128xf32, #tpu.memory_space<vmem_shared>>
      tpu.enqueue_dma source(%arg5 : memref<640x128xf32, #tpu.memory_space<hbm>>) target(%dma_start3A_10 : memref<640x128xf32, #tpu.memory_space<vmem_shared>>) target_semaphore(%run_scoped3A : memref<!tpu.dma_semaphore, #tpu.memory_space<semaphore_mem>>)
      %dma_wait3A = arith.constant 0 : i32
      %dma_wait3A_11 = tpu.memref_slice %arg10[%mul3A_2, %dma_wait3A] : memref<10240x128xf32, #tpu.memory_space<vmem_shared>> -> memref<640x128xf32, #tpu.memory_space<vmem_shared>>
      tpu.wait_dma2 semaphore(%run_scoped3A : memref<!tpu.dma_semaphore, #tpu.memory_space<semaphore_mem>>) src(%arg5 : memref<640x128xf32, #tpu.memory_space<hbm>>) dst(%dma_wait3A_11 : memref<640x128xf32, #tpu.memory_space<vmem_shared>>)
      tpu.yield
    }) : () -> ()
    "tpu.region"() ({
      %run_scoped3A = tpu.sem_alloc : memref<!tpu.dma_semaphore, #tpu.memory_space<semaphore_mem>>
      %dma_start3A = arith.constant 0 : i32
      %dma_start3A_10 = arith.constant 0 : i32
      %dma_start3A_11 = tpu.memref_slice %arg3[%add3A, %dma_start3A, %dma_start3A_10] : memref<32x79x128xi32, #tpu.memory_space<hbm>> -> memref<1x79x128xi32, #tpu.memory_space<hbm>>
      %dma_start3A_12 = tpu.memref_squeeze %dma_start3A_11 : memref<1x79x128xi32, #tpu.memory_space<hbm>> -> memref<79x128xi32, #tpu.memory_space<hbm>>
      %dma_start3A_13 = arith.constant 0 : i32
      %dma_start3A_14 = arith.constant 0 : i32
      %dma_start3A_15 = tpu.memref_slice %arg3[%add3A, %dma_start3A_13, %dma_start3A_14] : memref<32x79x128xi32, #tpu.memory_space<hbm>> -> memref<1x79x128xi32, #tpu.memory_space<hbm>>
      %dma_start3A_16 = tpu.memref_squeeze %dma_start3A_15 : memref<1x79x128xi32, #tpu.memory_space<hbm>> -> memref<79x128xi32, #tpu.memory_space<hbm>>
      tpu.enqueue_dma source(%dma_start3A_16 : memref<79x128xi32, #tpu.memory_space<hbm>>) target(%arg7 : memref<79x128xi32, #tpu.memory_space<vmem>>) target_semaphore(%run_scoped3A : memref<!tpu.dma_semaphore, #tpu.memory_space<semaphore_mem>>)
      %dma_wait3A = arith.constant 0 : i32
      %dma_wait3A_17 = arith.constant 0 : i32
      %dma_wait3A_18 = tpu.memref_slice %arg3[%add3A, %dma_wait3A, %dma_wait3A_17] : memref<32x79x128xi32, #tpu.memory_space<hbm>> -> memref<1x79x128xi32, #tpu.memory_space<hbm>>
      %dma_wait3A_19 = tpu.memref_squeeze %dma_wait3A_18 : memref<1x79x128xi32, #tpu.memory_space<hbm>> -> memref<79x128xi32, #tpu.memory_space<hbm>>
      %dma_wait3A_20 = arith.constant 0 : i32
      %dma_wait3A_21 = arith.constant 0 : i32
      %dma_wait3A_22 = tpu.memref_slice %arg3[%add3A, %dma_wait3A_20, %dma_wait3A_21] : memref<32x79x128xi32, #tpu.memory_space<hbm>> -> memref<1x79x128xi32, #tpu.memory_space<hbm>>
      %dma_wait3A_23 = tpu.memref_squeeze %dma_wait3A_22 : memref<1x79x128xi32, #tpu.memory_space<hbm>> -> memref<79x128xi32, #tpu.memory_space<hbm>>
      tpu.wait_dma2 semaphore(%run_scoped3A : memref<!tpu.dma_semaphore, #tpu.memory_space<semaphore_mem>>) src(%dma_wait3A_23 : memref<79x128xi32, #tpu.memory_space<hbm>>) dst(%arg7 : memref<79x128xi32, #tpu.memory_space<vmem>>)
      tpu.yield
    }) : () -> ()
    "tpu.region"() ({
      %run_scoped3A = tpu.sem_alloc : memref<!tpu.dma_semaphore, #tpu.memory_space<semaphore_mem>>
      %dma_start3A = arith.constant 0 : i32
      %dma_start3A_10 = arith.constant 0 : i32
      %dma_start3A_11 = tpu.memref_slice %arg4[%add3A, %dma_start3A, %dma_start3A_10] : memref<32x79x128xi32, #tpu.memory_space<hbm>> -> memref<1x79x128xi32, #tpu.memory_space<hbm>>
      %dma_start3A_12 = tpu.memref_squeeze %dma_start3A_11 : memref<1x79x128xi32, #tpu.memory_space<hbm>> -> memref<79x128xi32, #tpu.memory_space<hbm>>
      %dma_start3A_13 = arith.constant 0 : i32
      %dma_start3A_14 = arith.constant 0 : i32
      %dma_start3A_15 = tpu.memref_slice %arg4[%add3A, %dma_start3A_13, %dma_start3A_14] : memref<32x79x128xi32, #tpu.memory_space<hbm>> -> memref<1x79x128xi32, #tpu.memory_space<hbm>>
      %dma_start3A_16 = tpu.memref_squeeze %dma_start3A_15 : memref<1x79x128xi32, #tpu.memory_space<hbm>> -> memref<79x128xi32, #tpu.memory_space<hbm>>
      tpu.enqueue_dma source(%dma_start3A_16 : memref<79x128xi32, #tpu.memory_space<hbm>>) target(%arg8 : memref<79x128xi32, #tpu.memory_space<vmem>>) target_semaphore(%run_scoped3A : memref<!tpu.dma_semaphore, #tpu.memory_space<semaphore_mem>>)
      %dma_wait3A = arith.constant 0 : i32
      %dma_wait3A_17 = arith.constant 0 : i32
      %dma_wait3A_18 = tpu.memref_slice %arg4[%add3A, %dma_wait3A, %dma_wait3A_17] : memref<32x79x128xi32, #tpu.memory_space<hbm>> -> memref<1x79x128xi32, #tpu.memory_space<hbm>>
      %dma_wait3A_19 = tpu.memref_squeeze %dma_wait3A_18 : memref<1x79x128xi32, #tpu.memory_space<hbm>> -> memref<79x128xi32, #tpu.memory_space<hbm>>
      %dma_wait3A_20 = arith.constant 0 : i32
      %dma_wait3A_21 = arith.constant 0 : i32
      %dma_wait3A_22 = tpu.memref_slice %arg4[%add3A, %dma_wait3A_20, %dma_wait3A_21] : memref<32x79x128xi32, #tpu.memory_space<hbm>> -> memref<1x79x128xi32, #tpu.memory_space<hbm>>
      %dma_wait3A_23 = tpu.memref_squeeze %dma_wait3A_22 : memref<1x79x128xi32, #tpu.memory_space<hbm>> -> memref<79x128xi32, #tpu.memory_space<hbm>>
      tpu.wait_dma2 semaphore(%run_scoped3A : memref<!tpu.dma_semaphore, #tpu.memory_space<semaphore_mem>>) src(%dma_wait3A_23 : memref<79x128xi32, #tpu.memory_space<hbm>>) dst(%arg8 : memref<79x128xi32, #tpu.memory_space<vmem>>)
      tpu.yield
    }) : () -> ()
    %barrier3A = arith.constant 0 : index
    tpu.barrier barrier_id(%barrier3A)
    %scan3A = arith.constant 0 : i32
    %scan3A_3 = arith.constant 0 : i32
    %scan3A_4 = arith.constant 79 : i32
    %scan3A_5 = arith.addi %scan3A_3, %scan3A_4 : i32
    %scan3A_6 = arith.constant 1 : i32
    %scan3A_7 = scf.for %scan3A_10 = %scan3A_3 to %scan3A_5 step %scan3A_6 iter_args(%scan3A_11 = %scan3A) -> (i32)  : i32 {
      %dma_start3A = arith.constant 0 : i32
      %dma_start3A_12 = tpu.memref_slice %arg7[%scan3A_10, %dma_start3A] : memref<79x128xi32, #tpu.memory_space<vmem>> -> memref<1x128xi32, #tpu.memory_space<vmem>>
      %dma_start3A_13 = tpu.memref_squeeze %dma_start3A_12 : memref<1x128xi32, #tpu.memory_space<vmem>> -> memref<128xi32, #tpu.memory_space<vmem>>
      %dma_start3A_14 = arith.constant 0 : i32
      %dma_start3A_15 = arith.constant 0 : i32
      %dma_start3A_16 = tpu.memref_slice %arg2[%dma_start3A_14, %dma_start3A_15] : memref<10240x128xf32, #tpu.memory_space<hbm>> -> memref<10240x128xf32, #tpu.memory_space<hbm>>
      tpu.enqueue_indirect_dma source(%dma_start3A_16 : memref<10240x128xf32, #tpu.memory_space<hbm>>) target(%arg9 : memref<128x128xf32, #tpu.memory_space<vmem>>) offsets(%dma_start3A_13 : memref<128xi32, #tpu.memory_space<vmem>>) semaphore(%arg11 : memref<!tpu.dma_semaphore, #tpu.memory_space<semaphore_mem>>)
      %dma_wait3A = arith.constant 0 : i32
      %dma_wait3A_17 = tpu.memref_slice %arg7[%scan3A_10, %dma_wait3A] : memref<79x128xi32, #tpu.memory_space<vmem>> -> memref<1x128xi32, #tpu.memory_space<vmem>>
      %dma_wait3A_18 = tpu.memref_squeeze %dma_wait3A_17 : memref<1x128xi32, #tpu.memory_space<vmem>> -> memref<128xi32, #tpu.memory_space<vmem>>
      %dma_wait3A_19 = arith.constant 0 : i32
      %dma_wait3A_20 = arith.constant 0 : i32
      %dma_wait3A_21 = tpu.memref_slice %arg2[%dma_wait3A_19, %dma_wait3A_20] : memref<10240x128xf32, #tpu.memory_space<hbm>> -> memref<10240x128xf32, #tpu.memory_space<hbm>>
      tpu.wait_indirect_dma semaphore(%arg11 : memref<!tpu.dma_semaphore, #tpu.memory_space<semaphore_mem>>) src(%dma_wait3A_21 : memref<10240x128xf32, #tpu.memory_space<hbm>>) dst(%arg9 : memref<128x128xf32, #tpu.memory_space<vmem>>)
      "tpu.region"() ({
        %run_scoped3A = tpu.sem_alloc : memref<!tpu.dma_semaphore, #tpu.memory_space<semaphore_mem>>
        %dma_start3A_23 = arith.constant 0 : i32
        %dma_start3A_24 = tpu.memref_slice %arg8[%scan3A_10, %dma_start3A_23] : memref<79x128xi32, #tpu.memory_space<vmem>> -> memref<1x128xi32, #tpu.memory_space<vmem>>
        %dma_start3A_25 = tpu.memref_squeeze %dma_start3A_24 : memref<1x128xi32, #tpu.memory_space<vmem>> -> memref<128xi32, #tpu.memory_space<vmem>>
        %dma_start3A_26 = arith.constant 0 : i32
        %dma_start3A_27 = arith.constant 0 : i32
        %dma_start3A_28 = tpu.memref_slice %arg10[%dma_start3A_26, %dma_start3A_27] : memref<10240x128xf32, #tpu.memory_space<vmem_shared>> -> memref<10240x128xf32, #tpu.memory_space<vmem_shared>>
        tpu.enqueue_indirect_dma source(%arg9 : memref<128x128xf32, #tpu.memory_space<vmem>>) target(%dma_start3A_28 : memref<10240x128xf32, #tpu.memory_space<vmem_shared>>) offsets(%dma_start3A_25 : memref<128xi32, #tpu.memory_space<vmem>>) semaphore(%run_scoped3A : memref<!tpu.dma_semaphore, #tpu.memory_space<semaphore_mem>>) {add = true}
        %dma_wait3A_29 = arith.constant 0 : i32
        %dma_wait3A_30 = tpu.memref_slice %arg8[%scan3A_10, %dma_wait3A_29] : memref<79x128xi32, #tpu.memory_space<vmem>> -> memref<1x128xi32, #tpu.memory_space<vmem>>
        %dma_wait3A_31 = tpu.memref_squeeze %dma_wait3A_30 : memref<1x128xi32, #tpu.memory_space<vmem>> -> memref<128xi32, #tpu.memory_space<vmem>>
        %dma_wait3A_32 = arith.constant 0 : i32
        %dma_wait3A_33 = arith.constant 0 : i32
        %dma_wait3A_34 = tpu.memref_slice %arg10[%dma_wait3A_32, %dma_wait3A_33] : memref<10240x128xf32, #tpu.memory_space<vmem_shared>> -> memref<10240x128xf32, #tpu.memory_space<vmem_shared>>
        tpu.wait_indirect_dma semaphore(%run_scoped3A : memref<!tpu.dma_semaphore, #tpu.memory_space<semaphore_mem>>) src(%arg9 : memref<128x128xf32, #tpu.memory_space<vmem>>) dst(%dma_wait3A_34 : memref<10240x128xf32, #tpu.memory_space<vmem_shared>>)
        tpu.yield
      }) : () -> ()
      %scan3A_22 = arith.constant 0 : i32
      scf.yield %scan3A_22 : i32
    }
    %scan3A_8 = arith.constant 79 : i32
    %barrier3A_9 = arith.constant 0 : index
    tpu.barrier barrier_id(%barrier3A_9)
    "tpu.region"() ({
      %run_scoped3A = tpu.sem_alloc : memref<!tpu.dma_semaphore, #tpu.memory_space<semaphore_mem>>
      %dma_start3A = arith.constant 0 : i32
      %dma_start3A_10 = tpu.memref_slice %arg6[%arg0, %mul3A_2, %dma_start3A] : memref<2x10240x128xf32, #tpu.memory_space<hbm>> -> memref<1x640x128xf32, #tpu.memory_space<hbm>>
      %dma_start3A_11 = tpu.memref_squeeze %dma_start3A_10 : memref<1x640x128xf32, #tpu.memory_space<hbm>> -> memref<640x128xf32, #tpu.memory_space<hbm>>
      %dma_start3A_12 = arith.constant 0 : i32
      %dma_start3A_13 = tpu.memref_slice %arg10[%mul3A_2, %dma_start3A_12] : memref<10240x128xf32, #tpu.memory_space<vmem_shared>> -> memref<640x128xf32, #tpu.memory_space<vmem_shared>>
      tpu.enqueue_dma source(%dma_start3A_13 : memref<640x128xf32, #tpu.memory_space<vmem_shared>>) target(%dma_start3A_11 : memref<640x128xf32, #tpu.memory_space<hbm>>) target_semaphore(%run_scoped3A : memref<!tpu.dma_semaphore, #tpu.memory_space<semaphore_mem>>)
      %dma_wait3A = arith.constant 0 : i32
      %dma_wait3A_14 = tpu.memref_slice %arg6[%arg0, %mul3A_2, %dma_wait3A] : memref<2x10240x128xf32, #tpu.memory_space<hbm>> -> memref<1x640x128xf32, #tpu.memory_space<hbm>>
      %dma_wait3A_15 = tpu.memref_squeeze %dma_wait3A_14 : memref<1x640x128xf32, #tpu.memory_space<hbm>> -> memref<640x128xf32, #tpu.memory_space<hbm>>
      %dma_wait3A_16 = arith.constant 0 : i32
      %dma_wait3A_17 = tpu.memref_slice %arg10[%mul3A_2, %dma_wait3A_16] : memref<10240x128xf32, #tpu.memory_space<vmem_shared>> -> memref<640x128xf32, #tpu.memory_space<vmem_shared>>
      tpu.wait_dma2 semaphore(%run_scoped3A : memref<!tpu.dma_semaphore, #tpu.memory_space<semaphore_mem>>) src(%dma_wait3A_17 : memref<640x128xf32, #tpu.memory_space<vmem_shared>>) dst(%dma_wait3A_15 : memref<640x128xf32, #tpu.memory_space<hbm>>)
      tpu.yield
    }) : () -> ()
    return
  }
}

module attributes {stable_mosaic.version = 14 : i64} {
  func.func @norm_body(%arg0: i32, %arg1: memref<2x32x2048xf32, #tpu.memory_space<vmem>>, %arg2: memref<2x2048xf32, #tpu.memory_space<vmem>>) attributes {dimension_semantics = [#tpu.dimension_semantics<arbitrary>], iteration_bounds = array<i64: 5>, scalar_prefetch = 0 : i64, scratch_operands = 0 : i64, tpu.core_type = #tpu.core_type<tc>, window_params = [{transform_indices = @transform_0, window_bounds = array<i64: 2, 32, 2048>}, {transform_indices = @transform_1, window_bounds = array<i64: 2, 2048>}]} {
    %get3A = arith.constant 0 : index
    %get3A_0 = arith.constant 0 : index
    %get3A_1 = arith.constant 0 : index
    %get3A_2 = vector.load %arg1[%get3A, %get3A_0, %get3A_1] : memref<2x32x2048xf32, #tpu.memory_space<vmem>>, vector<2x32x2048xf32>
    %reduce_sum3A = arith.constant dense<0.000000e+00> : vector<2x2048xf32>
    %reduce_sum3A_3 = vector.multi_reduction <add>, %get3A_2, %reduce_sum3A [1] : vector<2x32x2048xf32> to vector<2x2048xf32>
    %max3A = arith.constant 1.000000e+00 : f32
    %max3A_4 = vector.broadcast %max3A : f32 to vector<2x2048xf32>
    %max3A_5 = arith.maximumf %reduce_sum3A_3, %max3A_4 : vector<2x2048xf32>
    %rsqrt3A = math.rsqrt %max3A_5 : vector<2x2048xf32>
    %swap3A = arith.constant 0 : index
    %swap3A_6 = arith.constant 0 : index
    %swap3A_7 = vector.load %arg2[%swap3A, %swap3A_6] : memref<2x2048xf32, #tpu.memory_space<vmem>>, vector<2x2048xf32>
    tpu.vector_store %arg2[%swap3A, %swap3A_6], %rsqrt3A {strides = array<i32>} : memref<2x2048xf32, #tpu.memory_space<vmem>>, vector<2x2048xf32>,
    return
  }
  func.func @transform_0(%arg0: i32) -> (i32, i32, i32) {
    %c0_i32 = arith.constant 0 : i32
    %c0_i32_0 = arith.constant 0 : i32
    %c0_i32_1 = arith.constant 0 : i32
    return %c0_i32, %c0_i32_0, %arg0 : i32, i32, i32
  }
  func.func @transform_1(%arg0: i32) -> (i32, i32) {
    %c0_i32 = arith.constant 0 : i32
    %c0_i32_0 = arith.constant 0 : i32
    return %c0_i32, %arg0 : i32, i32
  }
}

module attributes {stable_mosaic.version = 14 : i64} {
  func.func @mm_scale_body(%arg0: i32, %arg1: memref<1024x128xf32, #tpu.memory_space<vmem>>, %arg2: memref<128x128xf32, #tpu.memory_space<vmem>>, %arg3: memref<1024x2xf32, #tpu.memory_space<vmem>>, %arg4: memref<1024x128xf32, #tpu.memory_space<vmem>>) attributes {dimension_semantics = [#tpu.dimension_semantics<arbitrary>], iteration_bounds = array<i64: 10>, scalar_prefetch = 0 : i64, scratch_operands = 0 : i64, tpu.core_type = #tpu.core_type<tc>, window_params = [{transform_indices = @transform_0, window_bounds = array<i64: 1024, 128>}, {pipeline_mode = #tpu.pipeline_mode<synchronous>, transform_indices = @transform_1, window_bounds = array<i64: 128, 128>}, {transform_indices = @transform_2, window_bounds = array<i64: 1024, 2>}, {transform_indices = @transform_3, window_bounds = array<i64: 1024, 128>}]} {
    %get3A = arith.constant 0 : index
    %get3A_0 = arith.constant 0 : index
    %get3A_1 = vector.load %arg3[%get3A, %get3A_0] : memref<1024x2xf32, #tpu.memory_space<vmem>>, vector<1024x2xf32>
    %slice3A = vector.extract_strided_slice %get3A_1 {offsets = [0, 0], sizes = [1024, 1], strides = [1, 1]} : vector<1024x2xf32> to vector<1024x1xf32>
    %get3A_2 = arith.constant 0 : index
    %get3A_3 = arith.constant 0 : index
    %get3A_4 = vector.load %arg1[%get3A_2, %get3A_3] : memref<1024x128xf32, #tpu.memory_space<vmem>>, vector<1024x128xf32>
    %get3A_5 = arith.constant 0 : index
    %get3A_6 = arith.constant 0 : index
    %get3A_7 = vector.load %arg2[%get3A_5, %get3A_6] : memref<128x128xf32, #tpu.memory_space<vmem>>, vector<128x128xf32>
    %dot_general3A = arith.constant dense<0.000000e+00> : vector<1024x128xf32>
    %dot_general3A_8 = tpu.matmul %get3A_4, %get3A_7, %dot_general3A {dimension_numbers = #tpu.dot_dimension_numbers<[1], [0], [0], [1], [0, 0, 1, 1], [], []>, transpose_lhs_hint = false} : vector<1024x128xf32>, vector<128x128xf32>, vector<1024x128xf32> -> vector<1024x128xf32>
    %mul3A = vector.broadcast %slice3A : vector<1024x1xf32> to vector<1024x128xf32>
    %mul3A_9 = arith.mulf %dot_general3A_8, %mul3A : vector<1024x128xf32>
    %swap3A = arith.constant 0 : index
    %swap3A_10 = arith.constant 0 : index
    %swap3A_11 = vector.load %arg4[%swap3A, %swap3A_10] : memref<1024x128xf32, #tpu.memory_space<vmem>>, vector<1024x128xf32>
    tpu.vector_store %arg4[%swap3A, %swap3A_10], %mul3A_9 {strides = array<i32>} : memref<1024x128xf32, #tpu.memory_space<vmem>>, vector<1024x128xf32>,
    return
  }
  func.func @transform_0(%arg0: i32) -> (i32, i32) {
    %c0_i32 = arith.constant 0 : i32
    %c0_i32_0 = arith.constant 0 : i32
    return %arg0, %c0_i32 : i32, i32
  }
  func.func @transform_1(%arg0: i32) -> (i32, i32) {
    %c0_i32 = arith.constant 0 : i32
    %c0_i32_0 = arith.constant 0 : i32
    %c0_i32_1 = arith.constant 0 : i32
    return %c0_i32, %c0_i32_0 : i32, i32
  }
  func.func @transform_2(%arg0: i32) -> (i32, i32) {
    %c0_i32 = arith.constant 0 : i32
    %c0_i32_0 = arith.constant 0 : i32
    return %arg0, %c0_i32 : i32, i32
  }
  func.func @transform_3(%arg0: i32) -> (i32, i32) {
    %c0_i32 = arith.constant 0 : i32
    %c0_i32_0 = arith.constant 0 : i32
    return %arg0, %c0_i32 : i32, i32
  }
}

module attributes {stable_mosaic.version = 14 : i64} {
  func.func @epi_mm_body(%arg0: i32, %arg1: memref<2x1024x128xf32, #tpu.memory_space<vmem>>, %arg2: memref<1024x2xf32, #tpu.memory_space<vmem>>, %arg3: memref<1x128xf32, #tpu.memory_space<vmem>>, %arg4: memref<128x128xf32, #tpu.memory_space<vmem>>, %arg5: memref<1024x128xf32, #tpu.memory_space<vmem>>) attributes {dimension_semantics = [#tpu.dimension_semantics<arbitrary>], iteration_bounds = array<i64: 10>, scalar_prefetch = 0 : i64, scratch_operands = 0 : i64, tpu.core_type = #tpu.core_type<tc>, window_params = [{transform_indices = @transform_0, window_bounds = array<i64: 2, 1024, 128>}, {transform_indices = @transform_1, window_bounds = array<i64: 1024, 2>}, {pipeline_mode = #tpu.pipeline_mode<synchronous>, transform_indices = @transform_2, window_bounds = array<i64: 1, 128>}, {pipeline_mode = #tpu.pipeline_mode<synchronous>, transform_indices = @transform_3, window_bounds = array<i64: 128, 128>}, {transform_indices = @transform_4, window_bounds = array<i64: 1024, 128>}]} {
    %get3A = arith.constant 0 : index
    %get3A_0 = arith.constant 0 : index
    %get3A_1 = arith.constant 0 : index
    %get3A_2 = vector.load %arg1[%get3A, %get3A_0, %get3A_1] : memref<2x1024x128xf32, #tpu.memory_space<vmem>>, vector<1x1024x128xf32>
    %get3A_3 = vector.shape_cast %get3A_2 : vector<1x1024x128xf32> to vector<1024x128xf32>
    %get3A_4 = arith.constant 1 : index
    %get3A_5 = arith.constant 0 : index
    %get3A_6 = arith.constant 0 : index
    %get3A_7 = vector.load %arg1[%get3A_4, %get3A_5, %get3A_6] : memref<2x1024x128xf32, #tpu.memory_space<vmem>>, vector<1x1024x128xf32>
    %get3A_8 = vector.shape_cast %get3A_7 : vector<1x1024x128xf32> to vector<1024x128xf32>
    %add3A = arith.addf %get3A_3, %get3A_8 : vector<1024x128xf32>
    %get3A_9 = arith.constant 0 : index
    %get3A_10 = arith.constant 0 : index
    %get3A_11 = vector.load %arg2[%get3A_9, %get3A_10] : memref<1024x2xf32, #tpu.memory_space<vmem>>, vector<1024x2xf32>
    %slice3A = vector.extract_strided_slice %get3A_11 {offsets = [0, 1], sizes = [1024, 1], strides = [1, 1]} : vector<1024x2xf32> to vector<1024x1xf32>
    %mul3A = vector.broadcast %slice3A : vector<1024x1xf32> to vector<1024x128xf32>
    %mul3A_12 = arith.mulf %add3A, %mul3A : vector<1024x128xf32>
    %get3A_13 = arith.constant 0 : index
    %get3A_14 = arith.constant 0 : index
    %get3A_15 = vector.load %arg3[%get3A_13, %get3A_14] : memref<1x128xf32, #tpu.memory_space<vmem>>, vector<1x128xf32>
    %add3A_16 = vector.broadcast %get3A_15 : vector<1x128xf32> to vector<1024x128xf32>
    %add3A_17 = arith.addf %mul3A_12, %add3A_16 : vector<1024x128xf32>
    %ge3A = arith.constant 0.000000e+00 : f32
    %ge3A_18 = vector.broadcast %ge3A : f32 to vector<1024x128xf32>
    %ge3A_19 = arith.cmpf oge, %add3A_17, %ge3A_18 : vector<1024x128xf32>
    %mul3A_20 = arith.constant 2.000000e-01 : f32
    %mul3A_21 = vector.broadcast %mul3A_20 : f32 to vector<1024x128xf32>
    %mul3A_22 = arith.mulf %mul3A_21, %add3A_17 : vector<1024x128xf32>
    %select_n3A = arith.select %ge3A_19, %add3A_17, %mul3A_22 : vector<1024x128xi1>, vector<1024x128xf32>
    %mul3A_23 = arith.constant 1024 : i32
    %mul3A_24 = arith.muli %arg0, %mul3A_23 : i32
    %iota3A = tpu.iota {dimensions = array<i32: 0>} : vector<1024x1xi32>
    %add3A_25 = vector.broadcast %mul3A_24 : i32 to vector<1024x1xi32>
    %add3A_26 = arith.addi %add3A_25, %iota3A : vector<1024x1xi32>
    %lt3A = arith.constant 10000 : i32
    %lt3A_27 = vector.broadcast %lt3A : i32 to vector<1024x1xi32>
    %lt3A_28 = arith.cmpi slt, %add3A_26, %lt3A_27 : vector<1024x1xi32>
    %jit3A = arith.constant 0.000000e+00 : f32
    %broadcast_in_dim3A = vector.shape_cast %lt3A_28 : vector<1024x1xi1> to vector<1024x1xi1>
    %broadcast_in_dim3A_29 = vector.broadcast %broadcast_in_dim3A : vector<1024x1xi1> to vector<1024x128xi1>
    %broadcast_in_dim3A_30 = vector.broadcast %jit3A : f32 to vector<1024x128xf32>
    %select_n3A_31 = arith.select %broadcast_in_dim3A_29, %select_n3A, %broadcast_in_dim3A_30 : vector<1024x128xi1>, vector<1024x128xf32>
    %get3A_32 = arith.constant 0 : index
    %get3A_33 = arith.constant 0 : index
    %get3A_34 = vector.load %arg4[%get3A_32, %get3A_33] : memref<128x128xf32, #tpu.memory_space<vmem>>, vector<128x128xf32>
    %dot_general3A = arith.constant dense<0.000000e+00> : vector<1024x128xf32>
    %dot_general3A_35 = tpu.matmul %select_n3A_31, %get3A_34, %dot_general3A {dimension_numbers = #tpu.dot_dimension_numbers<[1], [0], [0], [1], [0, 0, 1, 1], [], []>, transpose_lhs_hint = false} : vector<1024x128xf32>, vector<128x128xf32>, vector<1024x128xf32> -> vector<1024x128xf32>
    %get3A_36 = arith.constant 0 : index
    %get3A_37 = arith.constant 0 : index
    %get3A_38 = vector.load %arg2[%get3A_36, %get3A_37] : memref<1024x2xf32, #tpu.memory_space<vmem>>, vector<1024x2xf32>
    %slice3A_39 = vector.extract_strided_slice %get3A_38 {offsets = [0, 0], sizes = [1024, 1], strides = [1, 1]} : vector<1024x2xf32> to vector<1024x1xf32>
    %mul3A_40 = vector.broadcast %slice3A_39 : vector<1024x1xf32> to vector<1024x128xf32>
    %mul3A_41 = arith.mulf %dot_general3A_35, %mul3A_40 : vector<1024x128xf32>
    %swap3A = arith.constant 0 : index
    %swap3A_42 = arith.constant 0 : index
    %swap3A_43 = vector.load %arg5[%swap3A, %swap3A_42] : memref<1024x128xf32, #tpu.memory_space<vmem>>, vector<1024x128xf32>
    tpu.vector_store %arg5[%swap3A, %swap3A_42], %mul3A_41 {strides = array<i32>} : memref<1024x128xf32, #tpu.memory_space<vmem>>, vector<1024x128xf32>,
    return
  }
  func.func @transform_0(%arg0: i32) -> (i32, i32, i32) {
    %c0_i32 = arith.constant 0 : i32
    %c0_i32_0 = arith.constant 0 : i32
    %c0_i32_1 = arith.constant 0 : i32
    return %c0_i32, %arg0, %c0_i32_0 : i32, i32, i32
  }
  func.func @transform_1(%arg0: i32) -> (i32, i32) {
    %c0_i32 = arith.constant 0 : i32
    %c0_i32_0 = arith.constant 0 : i32
    return %arg0, %c0_i32 : i32, i32
  }
  func.func @transform_2(%arg0: i32) -> (i32, i32) {
    %c0_i32 = arith.constant 0 : i32
    %c0_i32_0 = arith.constant 0 : i32
    %c0_i32_1 = arith.constant 0 : i32
    return %c0_i32, %c0_i32_0 : i32, i32
  }
  func.func @transform_3(%arg0: i32) -> (i32, i32) {
    %c0_i32 = arith.constant 0 : i32
    %c0_i32_0 = arith.constant 0 : i32
    %c0_i32_1 = arith.constant 0 : i32
    return %c0_i32, %c0_i32_0 : i32, i32
  }
  func.func @transform_4(%arg0: i32) -> (i32, i32) {
    %c0_i32 = arith.constant 0 : i32
    %c0_i32_0 = arith.constant 0 : i32
    return %arg0, %c0_i32 : i32, i32
  }
}

module attributes {stable_mosaic.version = 14 : i64} {
  func.func @final_body(%arg0: i32, %arg1: memref<2x1024x128xf32, #tpu.memory_space<vmem>>, %arg2: memref<1024x2xf32, #tpu.memory_space<vmem>>, %arg3: memref<1x128xf32, #tpu.memory_space<vmem>>, %arg4: memref<128x40xf32, #tpu.memory_space<vmem>>, %arg5: memref<1x40xf32, #tpu.memory_space<vmem>>, %arg6: memref<1x40xf32, #tpu.memory_space<vmem>>, %arg7: memref<1x128xf32, #tpu.memory_space<vmem>>) attributes {dimension_semantics = [#tpu.dimension_semantics<arbitrary>], iteration_bounds = array<i64: 10>, scalar_prefetch = 0 : i64, scratch_operands = 1 : i64, tpu.core_type = #tpu.core_type<tc>, window_params = [{transform_indices = @transform_0, window_bounds = array<i64: 2, 1024, 128>}, {transform_indices = @transform_1, window_bounds = array<i64: 1024, 2>}, {pipeline_mode = #tpu.pipeline_mode<synchronous>, transform_indices = @transform_2, window_bounds = array<i64: 1, 128>}, {pipeline_mode = #tpu.pipeline_mode<synchronous>, transform_indices = @transform_3, window_bounds = array<i64: 128, 40>}, {pipeline_mode = #tpu.pipeline_mode<synchronous>, transform_indices = @transform_4, window_bounds = array<i64: 1, 40>}, {pipeline_mode = #tpu.pipeline_mode<synchronous>, transform_indices = @transform_5, window_bounds = array<i64: 1, 40>}]} {
    %get3A = arith.constant 0 : index
    %get3A_0 = arith.constant 0 : index
    %get3A_1 = arith.constant 0 : index
    %get3A_2 = vector.load %arg1[%get3A, %get3A_0, %get3A_1] : memref<2x1024x128xf32, #tpu.memory_space<vmem>>, vector<1x1024x128xf32>
    %get3A_3 = vector.shape_cast %get3A_2 : vector<1x1024x128xf32> to vector<1024x128xf32>
    %get3A_4 = arith.constant 1 : index
    %get3A_5 = arith.constant 0 : index
    %get3A_6 = arith.constant 0 : index
    %get3A_7 = vector.load %arg1[%get3A_4, %get3A_5, %get3A_6] : memref<2x1024x128xf32, #tpu.memory_space<vmem>>, vector<1x1024x128xf32>
    %get3A_8 = vector.shape_cast %get3A_7 : vector<1x1024x128xf32> to vector<1024x128xf32>
    %add3A = arith.addf %get3A_3, %get3A_8 : vector<1024x128xf32>
    %get3A_9 = arith.constant 0 : index
    %get3A_10 = arith.constant 0 : index
    %get3A_11 = vector.load %arg2[%get3A_9, %get3A_10] : memref<1024x2xf32, #tpu.memory_space<vmem>>, vector<1024x2xf32>
    %slice3A = vector.extract_strided_slice %get3A_11 {offsets = [0, 1], sizes = [1024, 1], strides = [1, 1]} : vector<1024x2xf32> to vector<1024x1xf32>
    %mul3A = vector.broadcast %slice3A : vector<1024x1xf32> to vector<1024x128xf32>
    %mul3A_12 = arith.mulf %add3A, %mul3A : vector<1024x128xf32>
    %get3A_13 = arith.constant 0 : index
    %get3A_14 = arith.constant 0 : index
    %get3A_15 = vector.load %arg3[%get3A_13, %get3A_14] : memref<1x128xf32, #tpu.memory_space<vmem>>, vector<1x128xf32>
    %add3A_16 = vector.broadcast %get3A_15 : vector<1x128xf32> to vector<1024x128xf32>
    %add3A_17 = arith.addf %mul3A_12, %add3A_16 : vector<1024x128xf32>
    %ge3A = arith.constant 0.000000e+00 : f32
    %ge3A_18 = vector.broadcast %ge3A : f32 to vector<1024x128xf32>
    %ge3A_19 = arith.cmpf oge, %add3A_17, %ge3A_18 : vector<1024x128xf32>
    %mul3A_20 = arith.constant 2.000000e-01 : f32
    %mul3A_21 = vector.broadcast %mul3A_20 : f32 to vector<1024x128xf32>
    %mul3A_22 = arith.mulf %mul3A_21, %add3A_17 : vector<1024x128xf32>
    %select_n3A = arith.select %ge3A_19, %add3A_17, %mul3A_22 : vector<1024x128xi1>, vector<1024x128xf32>
    %mul3A_23 = arith.constant 1024 : i32
    %mul3A_24 = arith.muli %arg0, %mul3A_23 : i32
    %iota3A = tpu.iota {dimensions = array<i32: 0>} : vector<1024x1xi32>
    %add3A_25 = vector.broadcast %mul3A_24 : i32 to vector<1024x1xi32>
    %add3A_26 = arith.addi %add3A_25, %iota3A : vector<1024x1xi32>
    %lt3A = arith.constant 10000 : i32
    %lt3A_27 = vector.broadcast %lt3A : i32 to vector<1024x1xi32>
    %lt3A_28 = arith.cmpi slt, %add3A_26, %lt3A_27 : vector<1024x1xi32>
    %jit3A = arith.constant 0.000000e+00 : f32
    %broadcast_in_dim3A = vector.shape_cast %lt3A_28 : vector<1024x1xi1> to vector<1024x1xi1>
    %broadcast_in_dim3A_29 = vector.broadcast %broadcast_in_dim3A : vector<1024x1xi1> to vector<1024x128xi1>
    %broadcast_in_dim3A_30 = vector.broadcast %jit3A : f32 to vector<1024x128xf32>
    %select_n3A_31 = arith.select %broadcast_in_dim3A_29, %select_n3A, %broadcast_in_dim3A_30 : vector<1024x128xi1>, vector<1024x128xf32>
    %eq3A = arith.constant 0 : i32
    %eq3A_32 = arith.cmpi eq, %arg0, %eq3A : i32
    %convert_element_type3A = arith.extui %eq3A_32 : i1 to i32
    %cond3A = arith.constant 0 : i32
    %cond3A_33 = arith.cmpi ne, %convert_element_type3A, %cond3A : i32
    scf.if %cond3A_33 {
      %broadcast_in_dim3A_47 = arith.constant 0.000000e+00 : f32
      %broadcast_in_dim3A_48 = vector.broadcast %broadcast_in_dim3A_47 : f32 to vector<1x128xf32>
      %swap3A_49 = arith.constant 0 : index
      %swap3A_50 = arith.constant 0 : index
      %swap3A_51 = vector.load %arg7[%swap3A_49, %swap3A_50] : memref<1x128xf32, #tpu.memory_space<vmem>>, vector<1x128xf32>
      tpu.vector_store %arg7[%swap3A_49, %swap3A_50], %broadcast_in_dim3A_48 {strides = array<i32>} : memref<1x128xf32, #tpu.memory_space<vmem>>, vector<1x128xf32>,
    } else {
    }
    %get3A_34 = arith.constant 0 : index
    %get3A_35 = arith.constant 0 : index
    %get3A_36 = vector.load %arg7[%get3A_34, %get3A_35] : memref<1x128xf32, #tpu.memory_space<vmem>>, vector<1x128xf32>
    %reduce_sum3A = arith.constant dense<0.000000e+00> : vector<128xf32>
    %reduce_sum3A_37 = vector.multi_reduction <add>, %select_n3A_31, %reduce_sum3A [0] : vector<1024x128xf32> to vector<128xf32>
    %broadcast_in_dim3A_38 = vector.shape_cast %reduce_sum3A_37 : vector<128xf32> to vector<1x128xf32>
    %add3A_39 = arith.addf %get3A_36, %broadcast_in_dim3A_38 : vector<1x128xf32>
    %swap3A = arith.constant 0 : index
    %swap3A_40 = arith.constant 0 : index
    %swap3A_41 = vector.load %arg7[%swap3A, %swap3A_40] : memref<1x128xf32, #tpu.memory_space<vmem>>, vector<1x128xf32>
    tpu.vector_store %arg7[%swap3A, %swap3A_40], %add3A_39 {strides = array<i32>} : memref<1x128xf32, #tpu.memory_space<vmem>>, vector<1x128xf32>,
    %eq3A_42 = arith.constant 9 : i32
    %eq3A_43 = arith.cmpi eq, %arg0, %eq3A_42 : i32
    %convert_element_type3A_44 = arith.extui %eq3A_43 : i1 to i32
    %cond3A_45 = arith.constant 0 : i32
    %cond3A_46 = arith.cmpi ne, %convert_element_type3A_44, %cond3A_45 : i32
    scf.if %cond3A_46 {
      %get3A_47 = arith.constant 0 : index
      %get3A_48 = arith.constant 0 : index
      %get3A_49 = vector.load %arg7[%get3A_47, %get3A_48] : memref<1x128xf32, #tpu.memory_space<vmem>>, vector<1x128xf32>
      %mul3A_50 = arith.constant 9.99999974E-5 : f32
      %mul3A_51 = vector.broadcast %mul3A_50 : f32 to vector<1x128xf32>
      %mul3A_52 = arith.mulf %get3A_49, %mul3A_51 : vector<1x128xf32>
      %get3A_53 = arith.constant 0 : index
      %get3A_54 = arith.constant 0 : index
      %get3A_55 = vector.load %arg4[%get3A_53, %get3A_54] : memref<128x40xf32, #tpu.memory_space<vmem>>, vector<128x40xf32>
      %dot_general3A = arith.constant dense<0.000000e+00> : vector<1x40xf32>
      %dot_general3A_56 = tpu.matmul %mul3A_52, %get3A_55, %dot_general3A {dimension_numbers = #tpu.dot_dimension_numbers<[1], [0], [0], [1], [0, 0, 1, 1], [], []>, transpose_lhs_hint = false} : vector<1x128xf32>, vector<128x40xf32>, vector<1x40xf32> -> vector<1x40xf32>
      %get3A_57 = arith.constant 0 : index
      %get3A_58 = arith.constant 0 : index
      %get3A_59 = vector.load %arg5[%get3A_57, %get3A_58] : memref<1x40xf32, #tpu.memory_space<vmem>>, vector<1x40xf32>
      %add3A_60 = arith.addf %dot_general3A_56, %get3A_59 : vector<1x40xf32>
      %swap3A_61 = arith.constant 0 : index
      %swap3A_62 = arith.constant 0 : index
      %swap3A_63 = vector.load %arg6[%swap3A_61, %swap3A_62] : memref<1x40xf32, #tpu.memory_space<vmem>>, vector<1x40xf32>
      tpu.vector_store %arg6[%swap3A_61, %swap3A_62], %add3A_60 {strides = array<i32>} : memref<1x40xf32, #tpu.memory_space<vmem>>, vector<1x40xf32>,
    } else {
    }
    return
  }
  func.func @transform_0(%arg0: i32) -> (i32, i32, i32) {
    %c0_i32 = arith.constant 0 : i32
    %c0_i32_0 = arith.constant 0 : i32
    %c0_i32_1 = arith.constant 0 : i32
    return %c0_i32, %arg0, %c0_i32_0 : i32, i32, i32
  }
  func.func @transform_1(%arg0: i32) -> (i32, i32) {
    %c0_i32 = arith.constant 0 : i32
    %c0_i32_0 = arith.constant 0 : i32
    return %arg0, %c0_i32 : i32, i32
  }
  func.func @transform_2(%arg0: i32) -> (i32, i32) {
    %c0_i32 = arith.constant 0 : i32
    %c0_i32_0 = arith.constant 0 : i32
    %c0_i32_1 = arith.constant 0 : i32
    return %c0_i32, %c0_i32_0 : i32, i32
  }
  func.func @transform_3(%arg0: i32) -> (i32, i32) {
    %c0_i32 = arith.constant 0 : i32
    %c0_i32_0 = arith.constant 0 : i32
    %c0_i32_1 = arith.constant 0 : i32
    return %c0_i32, %c0_i32_0 : i32, i32
  }
  func.func @transform_4(%arg0: i32) -> (i32, i32) {
    %c0_i32 = arith.constant 0 : i32
    %c0_i32_0 = arith.constant 0 : i32
    %c0_i32_1 = arith.constant 0 : i32
    return %c0_i32, %c0_i32_0 : i32, i32
  }
  func.func @transform_5(%arg0: i32) -> (i32, i32) {
    %c0_i32 = arith.constant 0 : i32
    %c0_i32_0 = arith.constant 0 : i32
    %c0_i32_1 = arith.constant 0 : i32
    return %c0_i32, %c0_i32_0 : i32, i32
  }
}

</mosaic_0001>

<sc_bundles>
// kernel: kernel.11.cloned.1.call-start
scs
__scs_entry_jumppad:
0x0: {  	(pc) =	sbr.rel $0x88, $3  }
0x1: {  	(tag) =	ssettag $0x0;
	lr =	simm.s32 $0x1  }
0x2: {  	[smem:$0x3F97] =	sst lr;
	_ =	strace $0xD0000000  }
0x3: {  	_ = 	snop  }
0x4: {  	_ = 	snop  }
0x5: {  	_ = 	snop  }
0x6: {  	_ = 	snop  }
0x7: {  	_ = 	snop  }
__scs_overlays_trampoline_lowered:
0x8: {  	[smem:$0x3FA6] =	sst s0  }
0x9: {  	[smem:$0x3FA7] =	sst s1  }
0xa: {  	[smem:$0x3FA8] =	sst s2  }
0xb: {  	[smem:$0x3FA9] =	sst s3  }
0xc: {  	[smem:$0x3FAA] =	sst s4  }
0xd: {  	[smem:$0x3FAB] =	sst s5  }
0xe: {  	[smem:$0x3FAC] =	sst s6  }
0xf: {  	[smem:$0x3FAD] =	sst s7  }
0x10: {  	[smem:$0x3FAE] =	sst s8  }
0x11: {  	[smem:$0x3FAF] =	sst s9;
	s0 =	simm.s32 @!p0 $0x0  }
0x12: {  	s1 =	sld [smem:$0x3F95];
	s0 =	simm.s32 @p0 $0x1  }
0x13: {  	[smem:$0x3FB0] =	sst s0;
	s0 =	simm.s32 @!p1 $0x0  }
0x14: {  	s2 =	sld [smem:$0x3F94];
	s0 =	simm.s32 @p1 $0x1  }
0x15: {  	[smem:$0x3FB1] =	sst s0;
	s0 =	simm.s32 @!p2 $0x0  }
0x16: {  	s3 =	sld [smem:$0x3FDB];
	s0 =	simm.s32 @p2 $0x1  }
0x17: {  	s4 =	simm.s32 $0x1BF5;
	[smem:$0x3FB3] =	sst s0  }
0x18: {  	s0 =	sld [smem:$0x3F96];
	_ =	swait.ge [sflag:s4], $0x0  }
0x19: {  	s7 =	sld [smem:$0x3F97]  }
0x1a: {  	s8 =	sadd.s32 $0xFFFFE003, lr  }
0x1b: {  	s9 =	sadd.s32 $0xFFFFFEF7, lr;
	s5 =	simm.s32 $0xFFFFFFFF;
	p2 =	slt.u32 s8, $0xFFFFF086  }
0x1c: {  	p1 =	slt.u32 s9, $0xF7A;
	s5 =	simm.s32 @!p2 $0x0  }
0x1d: {  	s5 =	simm.s32 @p1 $0x1;
	p0 =	seq.s32 s7, s2  }
0x1e: {  	s7 =	smul.u32 @!p0 $0xF7A, s2;
	p2 =	seq.s32 @!p0 s5, $0x0  }
0x1f: {  	s9 =	smul.u32 $0xF7A, s1;
	s8 =	simm.s32 @!p0 $0x1BF5;
	p2 =	por !p2, p0  }
0x20: {  	[sflag:s8] =	ssyncset.s32 @!p0 $0xFFFFF086;
	s6 =	sadd.s32 @!p0 s3, s7;
	s7 =	simm.s32 @!p0 $0x108  }
0x21: {  	s3 =	sadd.s32 s3, s9;
	s6 =	sadd.s32 @!p0 $0x88, s6;
	s7 =	simm.s32 @p2 $0x1082  }
0x22: {  	[simem:s7], [sflag:s8] =	dma.local @!p0 [hbm:s6], $0xF7A  }
0x23: {  	s9 =	sor.u32 $0xD0000000, s2;
	s6 =	simm.s32 $0x108;
	_ =	swait.ge @!p0 [sflag:s8], $0x0  }
0x24: {  	s3 =	sadd.s32 $0x88, s3;
	s6 =	simm.s32 @!p1 $0x1082;
	[sflag:s4] =	ssyncset.s32 $0xFFFFF086  }
0x25: {  	[simem:s6], [sflag:s4] =	dma.local [hbm:s3], $0xF7A  }
0x26: {  	[smem:$0x3F97] =	sst s1;
	(tag) =	ssettag s2;
	_ =	strace s9  }
0x27: {  	s1 =	sld [smem:$0x3FA7]  }
0x28: {  	s2 =	sld [smem:$0x3FA8]  }
0x29: {  	s4 =	sld [smem:$0x3FAA]  }
0x2a: {  	p0 =	seq.s32 s5, $0x0;
	s5 =	sld [smem:$0x3FAB]  }
0x2b: {  	s6 =	sld [smem:$0x3FAC]  }
0x2c: {  	s7 =	sld [smem:$0x3FAD]  }
0x2d: {  	s3 =	simm.s32 $0x108;
	s8 =	sld [smem:$0x3FAE]  }
0x2e: {  	s3 =	simm.s32 @!p0 $0x1082;
	s9 =	sld [smem:$0x3FAF]  }
0x2f: {  	lr =	sadd.s32 s0, s3;
	s0 =	sld [smem:$0x3FA6]  }
0x30: {  	s3 =	sld [smem:$0x3FA9]  }
0x31: {  	[smem:$0x3FB2] =	sst s10  }
0x32: {  	s10 =	sld [smem:$0x3FB0];
	_ =	sdelay $0x3  }
0x33: {  	p0 =	seq.s32 s10, $0x1;
	s10 =	sld [smem:$0x3FB2];
	_ =	sdelay $0x3  }
0x34: {  	[smem:$0x3FB2] =	sst s10  }
0x35: {  	s10 =	sld [smem:$0x3FB1];
	_ =	sdelay $0x3  }
0x36: {  	p1 =	seq.s32 s10, $0x1;
	s10 =	sld [smem:$0x3FB2];
	_ =	sdelay $0x3  }
0x37: {  	[smem:$0x3FB2] =	sst s10  }
0x38: {  	s10 =	sld [smem:$0x3FB3]  }
0x39: {  	_ = 	snop;
	(pc) =	sbr.ind lr, $3  }
0x3a: {  	_ = 	snop  }
0x3b: {  	_ = 	snop  }
0x3c: {  	p2 =	seq.s32 s10, $0x1;
	s10 =	sld [smem:$0x3FB2]  }
0x3d: {  	_ =	shalt  }
0x3e: {  	_ =	shalt  }
0x3f: {  	_ =	shalt  }
0x40: {  	_ =	shalt  }
0x41: {  	_ =	shalt  }
0x42: {  	_ =	shalt  }
0x43: {  	_ =	shalt  }
0x44: {  	_ =	shalt  }
0x45: {  	_ =	shalt  }
0x46: {  	_ =	shalt  }
0x47: {  	_ =	shalt  }
0x48: {  	_ =	shalt  }
0x49: {  	_ =	shalt  }
0x4a: {  	_ =	shalt  }
0x4b: {  	_ =	shalt  }
0x4c: {  	_ =	shalt  }
0x4d: {  	_ =	shalt  }
0x4e: {  	_ =	shalt  }
0x4f: {  	_ =	shalt  }
0x50: {  	_ =	shalt  }
0x51: {  	_ =	shalt  }
0x52: {  	_ =	shalt  }
0x53: {  	_ =	shalt  }
0x54: {  	_ =	shalt  }
0x55: {  	_ =	shalt  }
0x56: {  	_ =	shalt  }
0x57: {  	_ =	shalt  }
0x58: {  	_ =	shalt  }
0x59: {  	_ =	shalt  }
0x5a: {  	_ =	shalt  }
0x5b: {  	_ =	shalt  }
0x5c: {  	_ =	shalt  }
0x5d: {  	_ =	shalt  }
0x5e: {  	_ =	shalt  }
0x5f: {  	_ =	shalt  }
0x60: {  	_ =	shalt  }
0x61: {  	_ =	shalt  }
0x62: {  	_ =	shalt  }
0x63: {  	_ =	shalt  }
0x64: {  	_ =	shalt  }
0x65: {  	_ =	shalt  }
0x66: {  	_ =	shalt  }
0x67: {  	_ =	shalt  }
0x68: {  	_ =	shalt  }
0x69: {  	_ =	shalt  }
0x6a: {  	_ =	shalt  }
0x6b: {  	_ =	shalt  }
0x6c: {  	_ =	shalt  }
0x6d: {  	_ =	shalt  }
0x6e: {  	_ =	shalt  }
0x6f: {  	_ =	shalt  }
0x70: {  	_ =	shalt  }
0x71: {  	_ =	shalt  }
0x72: {  	_ =	shalt  }
0x73: {  	_ =	shalt  }
0x74: {  	_ =	shalt  }
0x75: {  	_ =	shalt  }
0x76: {  	_ =	shalt  }
0x77: {  	_ =	shalt  }
0x78: {  	_ =	shalt  }
0x79: {  	_ =	shalt  }
0x7a: {  	_ =	shalt  }
0x7b: {  	_ =	shalt  }
0x7c: {  	_ =	shalt  }
0x7d: {  	_ =	shalt  }
0x7e: {  	_ =	shalt  }
0x7f: {  	_ =	shalt  }
0x80: {  	_ =	shalt  }
0x81: {  	_ =	shalt  }
0x82: {  	_ =	shalt  }
0x83: {  	_ =	shalt  }
0x84: {  	_ =	shalt  }
0x85: {  	_ =	shalt  }
0x86: {  	_ =	shalt  }
0x87: {  	_ =	shalt  }
.Lfunc_end0:
.L_simem_size_0:
called_computation_lowered:
.L_overlay_start_0:
0x88: {  	s2 =	sld [smem:$0x3FD9]  }
0x89: {  	s3 =	sld [smem:$0x3FFE];
	_ =	sdelay $0x1  }
0x8a: {  	s1 =	srdreg.scid  }
0x8b: {  	s0 =	sand.u32 $0x1, s1  }
0x8c: {  	s16 =	sshll.u32 s0, $0xA;
	s2 =	sadd.s32 s3, s2  }
0x8d: {  	s2 =	sadd.s32 s2, s16  }
0x8e: {  	[smem:$0x3FBE] =	sst s2  }
0x8f: {  	_ = 	snop  }
0x90: {  	(tm) =	ssettm $0x1  }
0x91: {  	s17 =	sld [smem:$0x3FFB];
	_ =	sdelay $0x3  }
0x92: {  	_ =	strace s17  }
0x93: {  	s2 =	sld [smem:$0x3FFC];
	_ =	sdelay $0x3  }
0x94: {  	_ =	strace s2  }
0x95: {  	s2 =	sld [smem:$0x3FFD];
	_ =	sdelay $0x3  }
0x96: {  	_ =	strace s2  }
0x97: {  	_ =	strace $0x8FFFFFFF  }
0x98: {  	s18 =	sld [smem:$0x3FDB];
	_ =	sdelay $0x1  }
0x99: {  	s19 =	simm.s32 $_scs_section_size  }
0x9a: {  	s4 =	simm.s32 $_size__tile_overlayer_lowered;
	s5 =	simm.s32 $_tile_overlayer_lowered  }
0x9b: {  	s22 =	simm.s32 $0x1BFF;
	s21 =	sshll.u32 s5, $0x1;
	s2 =	sadd.s32 s19, s18  }
0x9c: {  	s6 =	simm.s32 $0x0;
	s20 =	sshll.u32 s4, $0x1;
	s4 =	sadd.s32 s21, s2  }
0x9d: {  	[timem:s6], [sflag:s22] =	dma.local [hbm:s4], s20  }
0x9e: {  	_ =	swait.ge [sflag:s22], s20  }
0x9f: {  	s3 =	ssub.s32 $0x0, s20;
	[sflag:s22] =	ssyncset.done $0x0  }
0xa0: {  	[sflag:s22] =	ssyncadd.s32 s3;
	_ =	sdelay $0x1  }
0xa1: {  	s23 =	simm.s32 $0x1B8B  }
0xa2: {  	_ =	swait.ge [sflag:s23], $0x1  }
0xa3: {  	[sflag:s23] =	ssyncset.done $0x0  }
0xa4: {  	s25 =	simm.s32 $0x1B8E;
	s24 =	sld [smem:$0x3FFE];
	[sflag:s23] =	ssyncadd.s32 $0xFFFFFFFF  }
0xa5: {  	s26 =	simm.s32 $execute0_lowered;
	[smem:$0x3FD2] =	sst s25  }
0xa6: {  	s4 =	sshll.u32 s26, $0x1;
	_ =	strace $0x80000046;
	[dreg:$0x1] =	wrdreg $0xFFFFFFFF  }
0xa7: {  	s28 =	simm.s32 $_size_execute0_lowered;
	s2 =	sadd.s32 s2, s4;
	[dreg:$0x0] =	wrdreg $0x0  }
0xa8: {  	s4 =	sshll.u32 s28, $0x1;
	[dreg:$0x2] =	wrdreg s2  }
0xa9: {  	[dreg:$0x3] =	wrdreg s4  }
0xaa: {  	[dreg:$0x4] =	wrdreg $0xC0  }
0xab: {  	_ =	task [dreg:s6], $0x5FFFF  }
0xac: {  	[dreg:$0x1] =	wrdreg $0xFFFFFFFF  }
0xad: {  	[dreg:$0x0] =	wrdreg $0x60  }
0xae: {  	[dreg:$0x2] =	wrdreg s24  }
0xaf: {  	[dreg:$0x3] =	wrdreg $0x9  }
0xb0: {  	_ =	task.clear_ibuf [dreg:s6], $0x4FFFF;
	_ =	strace $0x90000046  }
0xb1: {  	s29 =	simm.s32 $0x9;
	_ =	strace $0x80000048  }
0xb2: {  	_ =	swait.ge [sflag:s29], $0x1  }
0xb3: {  	[sflag:s29] =	ssyncadd.s32 $0xFFFFFFFF  }
0xb4: {  	_ =	strace $0x90000048  }
0xb5: {  	_ =	sfence  }
0xb6: {  	s30 =	sld [smem:$0x0];
	_ =	sdelay $0x2  }
0xb7: {  	s31 =	sshll.u32 s1, $0xD;
	s1 =	sshrl.u32 s1, $0x2  }
0xb8: {  	s3 =	sand.u32 $0x4000, s31;
	s1 =	sadd.s32 s1, s30  }
0xb9: {  	s0 =	sor.u32 s3, s0;
	s1 =	sshll.u32 s1, $0x11  }
0xba: {  	s0 =	sor.u32 s1, s0  }
0xbb: {  	s0 =	sadd.s32 $0x8F2B, s0  }
0xbc: {  	[sflag:s0] =	ssyncadd.remote.s32 $0x1  }
0xbd: {  	_ =	sfence.sel $0xFFFF  }
0xbe: {  	[dreg:$0x0] =	wrdreg $0xFFFFFFFF;
	(pc) =	sbr.abs _section_cstart, $3  }
0xbf: {  	[dreg:$0x1] =	wrdreg $0xFFFFFFFF  }
0xc0: {  	_ =	task.clear_ibuf [dreg:s6], $0x2FFFF;
	_ =	strace $0x9FFFFFFF  }
0xc1: {  	(tm) =	ssettm $0x7FFFFFFF  }
tec
execute0_lowered:
.L_overlay_start_1:
0x0: {  	(tag) =	ssettag $0x1  }
0x1: {  	s0 =	srdreg.scid;
	s4 =	rddreg [dreg:$0x0]  }
0x2: {  	s1 =	stileid.u32;
	s2 =	simm.s32 $0x0;
	s10 =	simm.s32 $0x5000  }
0x3: {  	s11 =	simm.s32 $0x7800;
	s12 =	simm.s32 $0x80;
	s3 =	sand.u32 $0x1, s0  }
0x4: {  	s13 =	simm.s32 $0x400;
	s0 =	rddreg [dreg:$0x1];
	s5 =	sshll.u32 s3, $0x4  }
0x5: {  	[smem:$0x7FF] =	sst s2;
	s7 =	sshll.u32 s1, $0x7;
	s5 =	sor.u32 s1, s5  }
0x6: {  	s8 =	sadd.s32 $0x17000, s4;
	s6 =	smul.u32 $0x500, s5;
	s5 =	sshrl.u32 s5, $0x3  }
0x7: {  	_ =	strace $0x80000047;
	s3 =	ssub.s32 $0x2, s3;
	s5 =	smul.u32 $0x14000, s5  }
0x8: {  	s7 =	sand.u32 $0x380, s7;
	s29 =	sshrl.u32 s3, $0x1;
	s6 =	sadd.s32 s6, s4  }
0x9: {  	s30 =	ssub.s32 s3, s29;
	s5 =	sor.u32 s7, s5;
	s3 =	sadd.s32 $0x3000, s6  }
0xa: {  	s4 =	sadd.s32 $0xD000, s6;
	s9 =	sadd.s32 $0x50000, s5;
	s5 =	sshrl.u32 s5, $0x3  }
0xb: {  	s7 =	smax.u32 s30, $0x1;
	s31 =	sshrl.u32 s9, $0x3;
	s5 =	sadd.s32 s8, s5  }
0xc: {  	v0 =	vimm.f32 $0.0e+00;
	v1 =	vimm.f32 $1.000000000e+00;
	s9 =	simm.s32 $0x2800;
	s6 =	sadd.s32 s8, s31;
	s8 =	simm.s32 $0x1  }
.LBB2_1:
0xd: {  	s14 =	simm.s32 $0x40;
	s15 =	simm.s32 $0x0  }
.LBB2_2:
0xe: {  	p0 =	sne.s32 s14, $0x9FC0;
	[tilespmem:s15+$0x5000] =	vst v0;
	s16 =	smov.u32 s14;
	s14 =	sadd.s32 $0x40, s14  }
.Ltmp0:
0xf: {  	[tilespmem:s15+$0x7800] =	vst v0;
	(pc) =	sbr.rel @p0 .LBB2_2-.Ltmp0, $2  }
0x10: {  	_ =	sdelay $0x2  }
0x11: {  	s15 =	sshra.s32 s16, $0x2  }
0x12: {  	[tilespmem:s15+$0x5000] =	vst v0  }
0x13: {  	[tilespmem:s15+$0x7800] =	vst v0;
	s14 =	simm.s32 $0x0  }
0x14: {  	[tilespmem:s14], [sflag:$0x1] =	stream.linear.gather [hbm4b:s3+s14], $0x2780, $0x38;
	[tilespmem:$0xA000] =	vst v63  }
0x15: {  	_ =	swait.ge [sflag:s8], $0x2780  }
0x16: {  	[sflag:s8] =	ssyncset.done $0x0  }
0x17: {  	[sflag:s8] =	ssyncadd.s32 $0xFFFFD880  }
0x18: {  	[tilespmem:s9], [sflag:$0x1] =	stream.linear.gather [hbm4b:s4+s14], $0x2780, $0x38;
	[tilespmem:$0xA000] =	vst v63  }
0x19: {  	_ =	swait.ge [sflag:s8], $0x2780  }
0x1a: {  	[sflag:s8] =	ssyncset.done $0x0  }
0x1b: {  	[sflag:s8] =	ssyncadd.s32 $0xFFFFD880  }
.LBB2_4:
0x1c: {  	s15 =	sshra.s32 s14, $0x2  }
0x1d: {  	v2 =	vld [tilespmem:s15+$0x0]  }
0x1e: {  	v3 =	vld [tilespmem:s15+$0x2800];
	_ =	sdelay $0x6  }
0x1f: {  	[tilespmem:v2+s10+$0x0] =	vst.idx.add.f32.msk $0xffff, v1  }
0x20: {  	[tilespmem:v3+s11+$0x0] =	vst.idx.add.f32.msk $0xffff, v1  }
0x21: {  	v2 =	vld [tilespmem:s15+$0x10]  }
0x22: {  	v3 =	vld [tilespmem:s15+$0x2810];
	_ =	sdelay $0x6  }
0x23: {  	[tilespmem:v2+s10+$0x0] =	vst.idx.add.f32.msk $0xffff, v1  }
0x24: {  	[tilespmem:v3+s11+$0x0] =	vst.idx.add.f32.msk $0xffff, v1  }
0x25: {  	v2 =	vld [tilespmem:s15+$0x20]  }
0x26: {  	v3 =	vld [tilespmem:s15+$0x2820];
	_ =	sdelay $0x6  }
0x27: {  	[tilespmem:v2+s10+$0x0] =	vst.idx.add.f32.msk $0xffff, v1  }
0x28: {  	[tilespmem:v3+s11+$0x0] =	vst.idx.add.f32.msk $0xffff, v1  }
0x29: {  	v2 =	vld [tilespmem:s15+$0x30]  }
0x2a: {  	v3 =	vld [tilespmem:s15+$0x2830];
	_ =	sdelay $0x6  }
0x2b: {  	[tilespmem:v2+s10+$0x0] =	vst.idx.add.f32.msk $0xffff, v1  }
0x2c: {  	[tilespmem:v3+s11+$0x0] =	vst.idx.add.f32.msk $0xffff, v1  }
0x2d: {  	v2 =	vld [tilespmem:s15+$0x40]  }
0x2e: {  	v3 =	vld [tilespmem:s15+$0x2840];
	_ =	sdelay $0x6  }
0x2f: {  	[tilespmem:v2+s10+$0x0] =	vst.idx.add.f32.msk $0xffff, v1  }
0x30: {  	[tilespmem:v3+s11+$0x0] =	vst.idx.add.f32.msk $0xffff, v1  }
0x31: {  	v2 =	vld [tilespmem:s15+$0x50]  }
0x32: {  	v3 =	vld [tilespmem:s15+$0x2850];
	_ =	sdelay $0x6  }
0x33: {  	[tilespmem:v2+s10+$0x0] =	vst.idx.add.f32.msk $0xffff, v1  }
0x34: {  	[tilespmem:v3+s11+$0x0] =	vst.idx.add.f32.msk $0xffff, v1  }
0x35: {  	v2 =	vld [tilespmem:s15+$0x60]  }
0x36: {  	v3 =	vld [tilespmem:s15+$0x2860];
	_ =	sdelay $0x6  }
0x37: {  	[tilespmem:v2+s10+$0x0] =	vst.idx.add.f32.msk $0xffff, v1  }
0x38: {  	[tilespmem:v3+s11+$0x0] =	vst.idx.add.f32.msk $0xffff, v1  }
0x39: {  	v2 =	vld [tilespmem:s15+$0x70]  }
0x3a: {  	v3 =	vld [tilespmem:s15+$0x2870];
	_ =	sdelay $0x2  }
0x3b: {  	p0 =	sne.s32 s14, $0x9C00  }
.Ltmp1:
0x3c: {  	_ = 	snop;
	(pc) =	sbr.rel @p0 .LBB2_4-.Ltmp1, $3  }
0x3d: {  	_ =	sdelay $0x1  }
0x3e: {  	[tilespmem:v2+s10+$0x0] =	vst.idx.add.f32.msk $0xffff, v1  }
0x3f: {  	s14 =	sadd.s32 $0x200, s14;
	[tilespmem:v3+s11+$0x0] =	vst.idx.add.f32.msk $0xffff, v1  }
0x40: {  	[hbm4b:s5+s12] =	stream.strided.scatter [tilespmem:s10], [sflag:$0x1], $0x2800, s13, s12, $0x38;
	[tilespmem:$0xA000] =	vst v63  }
0x41: {  	s2 =	sadd.s32 $0x1, s2;
	_ =	swait.ge [sflag:s8], $0x2800  }
0x42: {  	p0 =	sne.s32 s2, s7;
	[sflag:s8] =	ssyncset.done $0x0  }
.Ltmp2:
0x43: {  	[sflag:s8] =	ssyncadd.s32 $0xFFFFD800;
	(pc) =	sbr.rel @p0 .LBB2_1-.Ltmp2, $4  }
0x44: {  	[hbm4b:s6+s12] =	stream.strided.scatter [tilespmem:s11], [sflag:$0x1], $0x2800, s13, s12, $0x38;
	[tilespmem:$0xA000] =	vst v63  }
0x45: {  	_ =	swait.ge [sflag:s8], $0x2800  }
0x46: {  	[sflag:s8] =	ssyncset.done $0x0  }
0x47: {  	[sflag:s8] =	ssyncadd.s32 $0xFFFFD800  }
0x48: {  	_ =	sfence.sel $0x180000  }
0x49: {  	[bflag:$0x0] =	sbarrier.arrive $0xFFFF  }
0x4a: {  	p0 =	sne.s32 s1, $0x0;
	_ =	strace $0x90000047  }
0x4b: {  	s0 =	sadd.s32 @!p0 $0x100000, s0;
	[bflag:$0x2] =	sbarrier.arrive $0xFFFF  }
0x4c: {  	[sflag:s0] =	ssyncadd.tile.s32 @!p0 $0x1;
	_ =	shalt  }
.Lfunc_end2:
_tile_overlayer_lowered:
.L_overlay_start_2:
0x4d: {  	(tag) =	ssettag $0x2  }
0x4e: {  	s0 =	rddreg [dreg:$0x0];
	s2 =	stileid.u32  }
0x4f: {  	s1 =	rddreg [dreg:$0x1];
	p0 =	sne.s32 s2, $0x0  }
0x50: {  	s3 =	rddreg [dreg:$0x2];
	[bflag:$0x3] =	sbarrier.arrive $0xFFFF;
	s2 =	simm.s32 @!p0 $0x1C01  }
0x51: {  	[timem:s3], [sflag:s2] =	dma.local @!p0 [hbm:s0], s1  }
0x52: {  	s0 =	simm.s32 @!p0 $0x1  }
0x53: {  	_ =	swait.ge @!p0 [sflag:s0], s1  }
0x54: {  	s1 =	ssub.s32 @!p0 $0x0, s1;
	[sflag:s0] =	ssyncset.done @!p0 $0x0  }
0x55: {  	[sflag:s0] =	ssyncadd.s32 @!p0 s1  }
0x56: {  	[bflag:$0x3] =	sbarrier.arrive $0xFFFF  }
0x57: {  	_ =	shalt  }

// kernel: kernel.14.cloned.1.call-start
scs
__scs_entry_jumppad:
0x0: {  	(pc) =	sbr.rel $0x88, $3  }
0x1: {  	(tag) =	ssettag $0x0;
	lr =	simm.s32 $0x1  }
0x2: {  	[smem:$0x3F97] =	sst lr;
	_ =	strace $0xD0000000  }
0x3: {  	_ = 	snop  }
0x4: {  	_ = 	snop  }
0x5: {  	_ = 	snop  }
0x6: {  	_ = 	snop  }
0x7: {  	_ = 	snop  }
__scs_overlays_trampoline_lowered:
0x8: {  	[smem:$0x3FA6] =	sst s0  }
0x9: {  	[smem:$0x3FA7] =	sst s1  }
0xa: {  	[smem:$0x3FA8] =	sst s2  }
0xb: {  	[smem:$0x3FA9] =	sst s3  }
0xc: {  	[smem:$0x3FAA] =	sst s4  }
0xd: {  	[smem:$0x3FAB] =	sst s5  }
0xe: {  	[smem:$0x3FAC] =	sst s6  }
0xf: {  	[smem:$0x3FAD] =	sst s7  }
0x10: {  	[smem:$0x3FAE] =	sst s8  }
0x11: {  	[smem:$0x3FAF] =	sst s9;
	s0 =	simm.s32 @!p0 $0x0  }
0x12: {  	s1 =	sld [smem:$0x3F95];
	s0 =	simm.s32 @p0 $0x1  }
0x13: {  	[smem:$0x3FB0] =	sst s0;
	s0 =	simm.s32 @!p1 $0x0  }
0x14: {  	s2 =	sld [smem:$0x3F94];
	s0 =	simm.s32 @p1 $0x1  }
0x15: {  	[smem:$0x3FB1] =	sst s0;
	s0 =	simm.s32 @!p2 $0x0  }
0x16: {  	s3 =	sld [smem:$0x3FDB];
	s0 =	simm.s32 @p2 $0x1  }
0x17: {  	s4 =	simm.s32 $0x1BF5;
	[smem:$0x3FB3] =	sst s0  }
0x18: {  	s0 =	sld [smem:$0x3F96];
	_ =	swait.ge [sflag:s4], $0x0  }
0x19: {  	s7 =	sld [smem:$0x3F97]  }
0x1a: {  	s8 =	sadd.s32 $0xFFFFE003, lr  }
0x1b: {  	s9 =	sadd.s32 $0xFFFFFEF7, lr;
	s5 =	simm.s32 $0xFFFFFFFF;
	p2 =	slt.u32 s8, $0xFFFFF086  }
0x1c: {  	p1 =	slt.u32 s9, $0xF7A;
	s5 =	simm.s32 @!p2 $0x0  }
0x1d: {  	s5 =	simm.s32 @p1 $0x1;
	p0 =	seq.s32 s7, s2  }
0x1e: {  	s7 =	smul.u32 @!p0 $0xF7A, s2;
	p2 =	seq.s32 @!p0 s5, $0x0  }
0x1f: {  	s9 =	smul.u32 $0xF7A, s1;
	s8 =	simm.s32 @!p0 $0x1BF5;
	p2 =	por !p2, p0  }
0x20: {  	[sflag:s8] =	ssyncset.s32 @!p0 $0xFFFFF086;
	s6 =	sadd.s32 @!p0 s3, s7;
	s7 =	simm.s32 @!p0 $0x108  }
0x21: {  	s3 =	sadd.s32 s3, s9;
	s6 =	sadd.s32 @!p0 $0x88, s6;
	s7 =	simm.s32 @p2 $0x1082  }
0x22: {  	[simem:s7], [sflag:s8] =	dma.local @!p0 [hbm:s6], $0xF7A  }
0x23: {  	s9 =	sor.u32 $0xD0000000, s2;
	s6 =	simm.s32 $0x108;
	_ =	swait.ge @!p0 [sflag:s8], $0x0  }
0x24: {  	s3 =	sadd.s32 $0x88, s3;
	s6 =	simm.s32 @!p1 $0x1082;
	[sflag:s4] =	ssyncset.s32 $0xFFFFF086  }
0x25: {  	[simem:s6], [sflag:s4] =	dma.local [hbm:s3], $0xF7A  }
0x26: {  	[smem:$0x3F97] =	sst s1;
	(tag) =	ssettag s2;
	_ =	strace s9  }
0x27: {  	s1 =	sld [smem:$0x3FA7]  }
0x28: {  	s2 =	sld [smem:$0x3FA8]  }
0x29: {  	s4 =	sld [smem:$0x3FAA]  }
0x2a: {  	p0 =	seq.s32 s5, $0x0;
	s5 =	sld [smem:$0x3FAB]  }
0x2b: {  	s6 =	sld [smem:$0x3FAC]  }
0x2c: {  	s7 =	sld [smem:$0x3FAD]  }
0x2d: {  	s3 =	simm.s32 $0x108;
	s8 =	sld [smem:$0x3FAE]  }
0x2e: {  	s3 =	simm.s32 @!p0 $0x1082;
	s9 =	sld [smem:$0x3FAF]  }
0x2f: {  	lr =	sadd.s32 s0, s3;
	s0 =	sld [smem:$0x3FA6]  }
0x30: {  	s3 =	sld [smem:$0x3FA9]  }
0x31: {  	[smem:$0x3FB2] =	sst s10  }
0x32: {  	s10 =	sld [smem:$0x3FB0];
	_ =	sdelay $0x3  }
0x33: {  	p0 =	seq.s32 s10, $0x1;
	s10 =	sld [smem:$0x3FB2];
	_ =	sdelay $0x3  }
0x34: {  	[smem:$0x3FB2] =	sst s10  }
0x35: {  	s10 =	sld [smem:$0x3FB1];
	_ =	sdelay $0x3  }
0x36: {  	p1 =	seq.s32 s10, $0x1;
	s10 =	sld [smem:$0x3FB2];
	_ =	sdelay $0x3  }
0x37: {  	[smem:$0x3FB2] =	sst s10  }
0x38: {  	s10 =	sld [smem:$0x3FB3]  }
0x39: {  	_ = 	snop;
	(pc) =	sbr.ind lr, $3  }
0x3a: {  	_ = 	snop  }
0x3b: {  	_ = 	snop  }
0x3c: {  	p2 =	seq.s32 s10, $0x1;
	s10 =	sld [smem:$0x3FB2]  }
0x3d: {  	_ =	shalt  }
0x3e: {  	_ =	shalt  }
0x3f: {  	_ =	shalt  }
0x40: {  	_ =	shalt  }
0x41: {  	_ =	shalt  }
0x42: {  	_ =	shalt  }
0x43: {  	_ =	shalt  }
0x44: {  	_ =	shalt  }
0x45: {  	_ =	shalt  }
0x46: {  	_ =	shalt  }
0x47: {  	_ =	shalt  }
0x48: {  	_ =	shalt  }
0x49: {  	_ =	shalt  }
0x4a: {  	_ =	shalt  }
0x4b: {  	_ =	shalt  }
0x4c: {  	_ =	shalt  }
0x4d: {  	_ =	shalt  }
0x4e: {  	_ =	shalt  }
0x4f: {  	_ =	shalt  }
0x50: {  	_ =	shalt  }
0x51: {  	_ =	shalt  }
0x52: {  	_ =	shalt  }
0x53: {  	_ =	shalt  }
0x54: {  	_ =	shalt  }
0x55: {  	_ =	shalt  }
0x56: {  	_ =	shalt  }
0x57: {  	_ =	shalt  }
0x58: {  	_ =	shalt  }
0x59: {  	_ =	shalt  }
0x5a: {  	_ =	shalt  }
0x5b: {  	_ =	shalt  }
0x5c: {  	_ =	shalt  }
0x5d: {  	_ =	shalt  }
0x5e: {  	_ =	shalt  }
0x5f: {  	_ =	shalt  }
0x60: {  	_ =	shalt  }
0x61: {  	_ =	shalt  }
0x62: {  	_ =	shalt  }
0x63: {  	_ =	shalt  }
0x64: {  	_ =	shalt  }
0x65: {  	_ =	shalt  }
0x66: {  	_ =	shalt  }
0x67: {  	_ =	shalt  }
0x68: {  	_ =	shalt  }
0x69: {  	_ =	shalt  }
0x6a: {  	_ =	shalt  }
0x6b: {  	_ =	shalt  }
0x6c: {  	_ =	shalt  }
0x6d: {  	_ =	shalt  }
0x6e: {  	_ =	shalt  }
0x6f: {  	_ =	shalt  }
0x70: {  	_ =	shalt  }
0x71: {  	_ =	shalt  }
0x72: {  	_ =	shalt  }
0x73: {  	_ =	shalt  }
0x74: {  	_ =	shalt  }
0x75: {  	_ =	shalt  }
0x76: {  	_ =	shalt  }
0x77: {  	_ =	shalt  }
0x78: {  	_ =	shalt  }
0x79: {  	_ =	shalt  }
0x7a: {  	_ =	shalt  }
0x7b: {  	_ =	shalt  }
0x7c: {  	_ =	shalt  }
0x7d: {  	_ =	shalt  }
0x7e: {  	_ =	shalt  }
0x7f: {  	_ =	shalt  }
0x80: {  	_ =	shalt  }
0x81: {  	_ =	shalt  }
0x82: {  	_ =	shalt  }
0x83: {  	_ =	shalt  }
0x84: {  	_ =	shalt  }
0x85: {  	_ =	shalt  }
0x86: {  	_ =	shalt  }
0x87: {  	_ =	shalt  }
.Lfunc_end0:
.L_simem_size_0:
called_computation.1_lowered:
.L_overlay_start_0:
0x88: {  	s2 =	sld [smem:$0x3FD9]  }
0x89: {  	s3 =	sld [smem:$0x3FFE];
	_ =	sdelay $0x1  }
0x8a: {  	s1 =	srdreg.scid  }
0x8b: {  	s0 =	sand.u32 $0x1, s1  }
0x8c: {  	s16 =	sshll.u32 s0, $0xA;
	s2 =	sadd.s32 s3, s2  }
0x8d: {  	s2 =	sadd.s32 s2, s16  }
0x8e: {  	[smem:$0x3FBE] =	sst s2  }
0x8f: {  	_ = 	snop  }
0x90: {  	(tm) =	ssettm $0x1  }
0x91: {  	s17 =	sld [smem:$0x3FFB];
	_ =	sdelay $0x3  }
0x92: {  	_ =	strace s17  }
0x93: {  	s2 =	sld [smem:$0x3FFC];
	_ =	sdelay $0x3  }
0x94: {  	_ =	strace s2  }
0x95: {  	s2 =	sld [smem:$0x3FFD];
	_ =	sdelay $0x3  }
0x96: {  	_ =	strace s2  }
0x97: {  	_ =	strace $0x8FFFFFFF  }
0x98: {  	s18 =	sld [smem:$0x3FDB];
	_ =	sdelay $0x1  }
0x99: {  	s19 =	simm.s32 $_scs_section_size  }
0x9a: {  	s4 =	simm.s32 $_size__tile_overlayer_lowered;
	s5 =	simm.s32 $_tile_overlayer_lowered  }
0x9b: {  	s22 =	simm.s32 $0x1BFF;
	s21 =	sshll.u32 s5, $0x1;
	s2 =	sadd.s32 s19, s18  }
0x9c: {  	s6 =	simm.s32 $0x0;
	s20 =	sshll.u32 s4, $0x1;
	s4 =	sadd.s32 s21, s2  }
0x9d: {  	[timem:s6], [sflag:s22] =	dma.local [hbm:s4], s20  }
0x9e: {  	_ =	swait.ge [sflag:s22], s20  }
0x9f: {  	s3 =	ssub.s32 $0x0, s20;
	[sflag:s22] =	ssyncset.done $0x0  }
0xa0: {  	[sflag:s22] =	ssyncadd.s32 s3;
	_ =	sdelay $0x1  }
0xa1: {  	s23 =	simm.s32 $0x1B8B  }
0xa2: {  	_ =	swait.ge [sflag:s23], $0x1  }
0xa3: {  	[sflag:s23] =	ssyncset.done $0x0  }
0xa4: {  	s25 =	simm.s32 $0x1B8E;
	s24 =	sld [smem:$0x3FFE];
	[sflag:s23] =	ssyncadd.s32 $0xFFFFFFFF  }
0xa5: {  	s26 =	simm.s32 $execute0_lowered;
	[smem:$0x3FD2] =	sst s25  }
0xa6: {  	s4 =	sshll.u32 s26, $0x1;
	_ =	strace $0x80000049;
	[dreg:$0x1] =	wrdreg $0xFFFFFFFF  }
0xa7: {  	s28 =	simm.s32 $_size_execute0_lowered;
	s2 =	sadd.s32 s2, s4;
	[dreg:$0x0] =	wrdreg $0x0  }
0xa8: {  	s4 =	sshll.u32 s28, $0x1;
	[dreg:$0x2] =	wrdreg s2  }
0xa9: {  	[dreg:$0x3] =	wrdreg s4  }
0xaa: {  	[dreg:$0x4] =	wrdreg $0xC0  }
0xab: {  	_ =	task [dreg:s6], $0x5FFFF  }
0xac: {  	[dreg:$0x1] =	wrdreg $0xFFFFFFFF  }
0xad: {  	[dreg:$0x0] =	wrdreg $0x60  }
0xae: {  	[dreg:$0x2] =	wrdreg s24  }
0xaf: {  	[dreg:$0x3] =	wrdreg $0x90000  }
0xb0: {  	[dreg:$0x4] =	wrdreg $0x9  }
0xb1: {  	_ =	task.clear_ibuf [dreg:s6], $0x5FFFF;
	_ =	strace $0x90000049  }
0xb2: {  	s29 =	simm.s32 $0x9;
	_ =	strace $0x8000004B  }
0xb3: {  	_ =	swait.ge [sflag:s29], $0x1  }
0xb4: {  	[sflag:s29] =	ssyncadd.s32 $0xFFFFFFFF  }
0xb5: {  	_ =	strace $0x9000004B  }
0xb6: {  	_ =	sfence  }
0xb7: {  	s30 =	sld [smem:$0x0];
	_ =	sdelay $0x2  }
0xb8: {  	s31 =	sshll.u32 s1, $0xD;
	s1 =	sshrl.u32 s1, $0x2  }
0xb9: {  	s3 =	sand.u32 $0x4000, s31;
	s1 =	sadd.s32 s1, s30  }
0xba: {  	s0 =	sor.u32 s3, s0;
	s1 =	sshll.u32 s1, $0x11  }
0xbb: {  	s0 =	sor.u32 s1, s0  }
0xbc: {  	s0 =	sadd.s32 $0x8F2B, s0  }
0xbd: {  	[sflag:s0] =	ssyncadd.remote.s32 $0x1  }
0xbe: {  	_ =	sfence.sel $0xFFFF  }
0xbf: {  	[dreg:$0x0] =	wrdreg $0xFFFFFFFF;
	(pc) =	sbr.abs _section_cstart, $3  }
0xc0: {  	[dreg:$0x1] =	wrdreg $0xFFFFFFFF  }
0xc1: {  	_ =	task.clear_ibuf [dreg:s6], $0x2FFFF;
	_ =	strace $0x9FFFFFFF  }
0xc2: {  	(tm) =	ssettm $0x7FFFFFFF  }
0xc3: {  	_ =	shalt  }
tec
execute0_lowered:
.L_overlay_start_1:
0x0: {  	(tag) =	ssettag $0x1  }
0x1: {  	s7 =	rddreg [dreg:$0x0]  }
0x2: {  	s0 =	srdreg.scid;
	s2 =	rddreg [dreg:$0x1]  }
0x3: {  	s3 =	simm.s32 $0x0;
	s14 =	simm.s32 $0x80;
	s15 =	simm.s32 $0x5000  }
0x4: {  	s16 =	simm.s32 $0x1;
	s6 =	sand.u32 $0x1, s0;
	s0 =	stileid.u32  }
0x5: {  	s17 =	simm.s32 $0x0;
	[smem:$0x7FF] =	sst s3;
	s8 =	smul.u32 $0x140000, s6  }
0x6: {  	s4 =	sadd.s32 $0x17000, s7;
	s1 =	sshll.u32 s6, $0x4;
	s9 =	smul.u32 $0x14000, s0  }
0x7: {  	s28 =	smul.u32 $0x50000, s0;
	s6 =	ssub.s32 $0x2, s6;
	s1 =	sor.u32 s0, s1  }
0x8: {  	s31 =	sshll.u32 s0, $0x6;
	s29 =	sshrl.u32 s6, $0x1;
	s5 =	smul.u32 $0x500, s1  }
0x9: {  	s1 =	rddreg [dreg:$0x2];
	_ =	strace $0x8000004A;
	s8 =	sadd.s32 s9, s8  }
0xa: {  	s30 =	sshrl.u32 s28, $0x2;
	s12 =	ssub.s32 s6, s29;
	s6 =	sor.u32 $0x1C02, s31  }
0xb: {  	s8 =	sshrl.u32 s8, $0x3;
	s13 =	sadd.s32 s30, s2;
	s10 =	sadd.s32 s5, s7  }
0xc: {  	s5 =	sadd.s32 $0x3F000, s7;
	s11 =	sadd.s32 s8, s7;
	s7 =	sadd.s32 $0x3000, s10  }
0xd: {  	s8 =	sadd.s32 $0xD000, s10;
	s9 =	sadd.s32 $0x41800, s11;
	s10 =	smax.u32 s12, $0x1  }
0xe: {  	s11 =	sshrl.u32 s13, $0x3;
	s12 =	simm.s32 $0x2;
	s13 =	simm.s32 $0x2800  }
.LBB2_1:
0xf: {  	[spmem:s11], [sflag:s6] =	dma.local [hbm:s5], $0x2800  }
0x10: {  	_ =	swait.ge [sflag:s12], $0x2800  }
0x11: {  	[sflag:s12] =	ssyncset.done $0x0  }
0x12: {  	[sflag:s12] =	ssyncadd.s32 $0xFFFFD800  }
0x13: {  	[tilespmem:s3], [sflag:$0x2] =	stream.linear.gather [hbm4b:s7+s3], $0x2780, $0x38;
	[tilespmem:$0x1D000] =	vst v63  }
0x14: {  	_ =	swait.ge [sflag:s12], $0x2780  }
0x15: {  	[sflag:s12] =	ssyncset.done $0x0  }
0x16: {  	[sflag:s12] =	ssyncadd.s32 $0xFFFFD880  }
0x17: {  	[tilespmem:s13], [sflag:$0x2] =	stream.linear.gather [hbm4b:s8+s3], $0x2780, $0x38;
	[tilespmem:$0x1D000] =	vst v63  }
0x18: {  	_ =	swait.ge [sflag:s12], $0x2780  }
0x19: {  	[sflag:s12] =	ssyncset.done $0x0  }
0x1a: {  	[sflag:s12] =	ssyncadd.s32 $0xFFFFD880  }
0x1b: {  	s18 =	simm.s32 $0x0;
	[bflag:$0x0] =	sbarrier.arrive $0xFFFF  }
0x1c: {  	[tilespmem:s15], [sflag:$0x1] =	stream.indirect.gather [hbm4b:s4+s14], $0x80, s18, s14, $0xb8;
	[tilespmem:$0x1D000] =	vst v63  }
0x1d: {  	_ =	swait.ge [sflag:s16], $0x4000  }
0x1e: {  	[sflag:s16] =	ssyncset.done $0x0  }
0x1f: {  	s31 =	simm.s32 $0x2800;
	[sflag:s16] =	ssyncadd.s32 $0xFFFFC000  }
0x20: {  	[spmem:s2] =	stream.indirect.scatter.add.f32 [tilespmem:s15], [sflag:$0x2], $0x80, s31, s14, $0xb8;
	[tilespmem:$0x1D000] =	vst v63  }
0x21: {  	_ =	swait.ge [sflag:s12], $0x4000  }
0x22: {  	s19 =	simm.s32 $0x400;
	s18 =	simm.s32 $0x200;
	[sflag:s12] =	ssyncset.done $0x0  }
.LBB2_2:
0x23: {  	s20 =	sshra.s32 s18, $0x2  }
0x24: {  	[sflag:s12] =	ssyncadd.s32 $0xFFFFC000;
	s18 =	smov.u32 s19;
	s21 =	sadd.s32 $0x200, s19  }
0x25: {  	[tilespmem:s15], [sflag:$0x1] =	stream.indirect.gather [hbm4b:s4+s14], $0x80, s20, s14, $0xb8;
	[tilespmem:$0x1D000] =	vst v63  }
0x26: {  	p0 =	sne.s32 s19, $0x9C00;
	_ =	swait.ge [sflag:s16], $0x4000  }
.Ltmp0:
0x27: {  	[sflag:s16] =	ssyncset.done $0x0;
	(pc) =	sbr.rel @p0 .LBB2_2-.Ltmp0, $4  }
0x28: {  	s19 =	sadd.s32 $0x2800, s20;
	[sflag:s16] =	ssyncadd.s32 $0xFFFFC000  }
0x29: {  	[spmem:s2] =	stream.indirect.scatter.add.f32 [tilespmem:s15], [sflag:$0x2], $0x80, s19, s14, $0xb8;
	[tilespmem:$0x1D000] =	vst v63  }
0x2a: {  	_ =	swait.ge [sflag:s12], $0x4000  }
0x2b: {  	s19 =	smov.u32 s21;
	[sflag:s12] =	ssyncset.done $0x0  }
0x2c: {  	s18 =	sshra.s32 s18, $0x2;
	[sflag:s12] =	ssyncadd.s32 $0xFFFFC000  }
0x2d: {  	[tilespmem:s15], [sflag:$0x1] =	stream.indirect.gather [hbm4b:s4+s14], $0x80, s18, s14, $0xb8;
	[tilespmem:$0x1D000] =	vst v63  }
0x2e: {  	_ =	swait.ge [sflag:s16], $0x4000  }
0x2f: {  	[sflag:s16] =	ssyncset.done $0x0  }
0x30: {  	s18 =	sadd.s32 $0x2800, s18;
	[sflag:s16] =	ssyncadd.s32 $0xFFFFC000  }
0x31: {  	[spmem:s2] =	stream.indirect.scatter.add.f32 [tilespmem:s15], [sflag:$0x2], $0x80, s18, s14, $0xb8;
	[tilespmem:$0x1D000] =	vst v63  }
0x32: {  	_ =	swait.ge [sflag:s12], $0x4000  }
0x33: {  	s17 =	sadd.s32 $0x1, s17;
	[sflag:s12] =	ssyncset.done $0x0  }
0x34: {  	p0 =	sne.s32 s17, s10;
	[sflag:s12] =	ssyncadd.s32 $0xFFFFC000  }
.Ltmp1:
0x35: {  	[bflag:$0x0] =	sbarrier.arrive $0xFFFF;
	(pc) =	sbr.rel @p0 .LBB2_1-.Ltmp1, $4  }
0x36: {  	[hbm:s9], [sflag:s6] =	dma.local [spmem:s11], $0x2800  }
0x37: {  	_ =	swait.ge [sflag:s12], $0x2800  }
0x38: {  	[sflag:s12] =	ssyncset.done $0x0  }
0x39: {  	[sflag:s12] =	ssyncadd.s32 $0xFFFFD800  }
0x3a: {  	_ =	sfence.sel $0x180000  }
0x3b: {  	[bflag:$0x0] =	sbarrier.arrive $0xFFFF  }
0x3c: {  	p0 =	sne.s32 s0, $0x0;
	_ =	strace $0x9000004A  }
0x3d: {  	s0 =	sadd.s32 @!p0 $0x100000, s1;
	[bflag:$0x2] =	sbarrier.arrive $0xFFFF  }
0x3e: {  	[sflag:s0] =	ssyncadd.tile.s32 @!p0 $0x1;
	_ =	shalt  }
.Lfunc_end2:
_tile_overlayer_lowered:
.L_overlay_start_2:
0x3f: {  	(tag) =	ssettag $0x2  }
0x40: {  	s0 =	rddreg [dreg:$0x0];
	s2 =	stileid.u32  }
0x41: {  	s1 =	rddreg [dreg:$0x1];
	p0 =	sne.s32 s2, $0x0  }
0x42: {  	s3 =	rddreg [dreg:$0x2];
	[bflag:$0x3] =	sbarrier.arrive $0xFFFF;
	s2 =	simm.s32 @!p0 $0x1C02  }
0x43: {  	[timem:s3], [sflag:s2] =	dma.local @!p0 [hbm:s0], s1  }
0x44: {  	s0 =	simm.s32 @!p0 $0x2  }
0x45: {  	_ =	swait.ge @!p0 [sflag:s0], s1  }
0x46: {  	s1 =	ssub.s32 @!p0 $0x0, s1;
	[sflag:s0] =	ssyncset.done @!p0 $0x0  }
0x47: {  	[sflag:s0] =	ssyncadd.s32 @!p0 s1  }
0x48: {  	[bflag:$0x3] =	sbarrier.arrive $0xFFFF  }
0x49: {  	_ =	shalt  }

// kernel: kernel.17.cloned.1.call-start
scs
__scs_entry_jumppad:
0x0: {  	(pc) =	sbr.rel $0x88, $3  }
0x1: {  	(tag) =	ssettag $0x0;
	lr =	simm.s32 $0x1  }
0x2: {  	[smem:$0x3F97] =	sst lr;
	_ =	strace $0xD0000000  }
0x3: {  	_ = 	snop  }
0x4: {  	_ = 	snop  }
0x5: {  	_ = 	snop  }
0x6: {  	_ = 	snop  }
0x7: {  	_ = 	snop  }
__scs_overlays_trampoline_lowered:
0x8: {  	[smem:$0x3FA6] =	sst s0  }
0x9: {  	[smem:$0x3FA7] =	sst s1  }
0xa: {  	[smem:$0x3FA8] =	sst s2  }
0xb: {  	[smem:$0x3FA9] =	sst s3  }
0xc: {  	[smem:$0x3FAA] =	sst s4  }
0xd: {  	[smem:$0x3FAB] =	sst s5  }
0xe: {  	[smem:$0x3FAC] =	sst s6  }
0xf: {  	[smem:$0x3FAD] =	sst s7  }
0x10: {  	[smem:$0x3FAE] =	sst s8  }
0x11: {  	[smem:$0x3FAF] =	sst s9;
	s0 =	simm.s32 @!p0 $0x0  }
0x12: {  	s1 =	sld [smem:$0x3F95];
	s0 =	simm.s32 @p0 $0x1  }
0x13: {  	[smem:$0x3FB0] =	sst s0;
	s0 =	simm.s32 @!p1 $0x0  }
0x14: {  	s2 =	sld [smem:$0x3F94];
	s0 =	simm.s32 @p1 $0x1  }
0x15: {  	[smem:$0x3FB1] =	sst s0;
	s0 =	simm.s32 @!p2 $0x0  }
0x16: {  	s3 =	sld [smem:$0x3FDB];
	s0 =	simm.s32 @p2 $0x1  }
0x17: {  	s4 =	simm.s32 $0x1BF5;
	[smem:$0x3FB3] =	sst s0  }
0x18: {  	s0 =	sld [smem:$0x3F96];
	_ =	swait.ge [sflag:s4], $0x0  }
0x19: {  	s7 =	sld [smem:$0x3F97]  }
0x1a: {  	s8 =	sadd.s32 $0xFFFFE003, lr  }
0x1b: {  	s9 =	sadd.s32 $0xFFFFFEF7, lr;
	s5 =	simm.s32 $0xFFFFFFFF;
	p2 =	slt.u32 s8, $0xFFFFF086  }
0x1c: {  	p1 =	slt.u32 s9, $0xF7A;
	s5 =	simm.s32 @!p2 $0x0  }
0x1d: {  	s5 =	simm.s32 @p1 $0x1;
	p0 =	seq.s32 s7, s2  }
0x1e: {  	s7 =	smul.u32 @!p0 $0xF7A, s2;
	p2 =	seq.s32 @!p0 s5, $0x0  }
0x1f: {  	s9 =	smul.u32 $0xF7A, s1;
	s8 =	simm.s32 @!p0 $0x1BF5;
	p2 =	por !p2, p0  }
0x20: {  	[sflag:s8] =	ssyncset.s32 @!p0 $0xFFFFF086;
	s6 =	sadd.s32 @!p0 s3, s7;
	s7 =	simm.s32 @!p0 $0x108  }
0x21: {  	s3 =	sadd.s32 s3, s9;
	s6 =	sadd.s32 @!p0 $0x88, s6;
	s7 =	simm.s32 @p2 $0x1082  }
0x22: {  	[simem:s7], [sflag:s8] =	dma.local @!p0 [hbm:s6], $0xF7A  }
0x23: {  	s9 =	sor.u32 $0xD0000000, s2;
	s6 =	simm.s32 $0x108;
	_ =	swait.ge @!p0 [sflag:s8], $0x0  }
0x24: {  	s3 =	sadd.s32 $0x88, s3;
	s6 =	simm.s32 @!p1 $0x1082;
	[sflag:s4] =	ssyncset.s32 $0xFFFFF086  }
0x25: {  	[simem:s6], [sflag:s4] =	dma.local [hbm:s3], $0xF7A  }
0x26: {  	[smem:$0x3F97] =	sst s1;
	(tag) =	ssettag s2;
	_ =	strace s9  }
0x27: {  	s1 =	sld [smem:$0x3FA7]  }
0x28: {  	s2 =	sld [smem:$0x3FA8]  }
0x29: {  	s4 =	sld [smem:$0x3FAA]  }
0x2a: {  	p0 =	seq.s32 s5, $0x0;
	s5 =	sld [smem:$0x3FAB]  }
0x2b: {  	s6 =	sld [smem:$0x3FAC]  }
0x2c: {  	s7 =	sld [smem:$0x3FAD]  }
0x2d: {  	s3 =	simm.s32 $0x108;
	s8 =	sld [smem:$0x3FAE]  }
0x2e: {  	s3 =	simm.s32 @!p0 $0x1082;
	s9 =	sld [smem:$0x3FAF]  }
0x2f: {  	lr =	sadd.s32 s0, s3;
	s0 =	sld [smem:$0x3FA6]  }
0x30: {  	s3 =	sld [smem:$0x3FA9]  }
0x31: {  	[smem:$0x3FB2] =	sst s10  }
0x32: {  	s10 =	sld [smem:$0x3FB0];
	_ =	sdelay $0x3  }
0x33: {  	p0 =	seq.s32 s10, $0x1;
	s10 =	sld [smem:$0x3FB2];
	_ =	sdelay $0x3  }
0x34: {  	[smem:$0x3FB2] =	sst s10  }
0x35: {  	s10 =	sld [smem:$0x3FB1];
	_ =	sdelay $0x3  }
0x36: {  	p1 =	seq.s32 s10, $0x1;
	s10 =	sld [smem:$0x3FB2];
	_ =	sdelay $0x3  }
0x37: {  	[smem:$0x3FB2] =	sst s10  }
0x38: {  	s10 =	sld [smem:$0x3FB3]  }
0x39: {  	_ = 	snop;
	(pc) =	sbr.ind lr, $3  }
0x3a: {  	_ = 	snop  }
0x3b: {  	_ = 	snop  }
0x3c: {  	p2 =	seq.s32 s10, $0x1;
	s10 =	sld [smem:$0x3FB2]  }
0x3d: {  	_ =	shalt  }
0x3e: {  	_ =	shalt  }
0x3f: {  	_ =	shalt  }
0x40: {  	_ =	shalt  }
0x41: {  	_ =	shalt  }
0x42: {  	_ =	shalt  }
0x43: {  	_ =	shalt  }
0x44: {  	_ =	shalt  }
0x45: {  	_ =	shalt  }
0x46: {  	_ =	shalt  }
0x47: {  	_ =	shalt  }
0x48: {  	_ =	shalt  }
0x49: {  	_ =	shalt  }
0x4a: {  	_ =	shalt  }
0x4b: {  	_ =	shalt  }
0x4c: {  	_ =	shalt  }
0x4d: {  	_ =	shalt  }
0x4e: {  	_ =	shalt  }
0x4f: {  	_ =	shalt  }
0x50: {  	_ =	shalt  }
0x51: {  	_ =	shalt  }
0x52: {  	_ =	shalt  }
0x53: {  	_ =	shalt  }
0x54: {  	_ =	shalt  }
0x55: {  	_ =	shalt  }
0x56: {  	_ =	shalt  }
0x57: {  	_ =	shalt  }
0x58: {  	_ =	shalt  }
0x59: {  	_ =	shalt  }
0x5a: {  	_ =	shalt  }
0x5b: {  	_ =	shalt  }
0x5c: {  	_ =	shalt  }
0x5d: {  	_ =	shalt  }
0x5e: {  	_ =	shalt  }
0x5f: {  	_ =	shalt  }
0x60: {  	_ =	shalt  }
0x61: {  	_ =	shalt  }
0x62: {  	_ =	shalt  }
0x63: {  	_ =	shalt  }
0x64: {  	_ =	shalt  }
0x65: {  	_ =	shalt  }
0x66: {  	_ =	shalt  }
0x67: {  	_ =	shalt  }
0x68: {  	_ =	shalt  }
0x69: {  	_ =	shalt  }
0x6a: {  	_ =	shalt  }
0x6b: {  	_ =	shalt  }
0x6c: {  	_ =	shalt  }
0x6d: {  	_ =	shalt  }
0x6e: {  	_ =	shalt  }
0x6f: {  	_ =	shalt  }
0x70: {  	_ =	shalt  }
0x71: {  	_ =	shalt  }
0x72: {  	_ =	shalt  }
0x73: {  	_ =	shalt  }
0x74: {  	_ =	shalt  }
0x75: {  	_ =	shalt  }
0x76: {  	_ =	shalt  }
0x77: {  	_ =	shalt  }
0x78: {  	_ =	shalt  }
0x79: {  	_ =	shalt  }
0x7a: {  	_ =	shalt  }
0x7b: {  	_ =	shalt  }
0x7c: {  	_ =	shalt  }
0x7d: {  	_ =	shalt  }
0x7e: {  	_ =	shalt  }
0x7f: {  	_ =	shalt  }
0x80: {  	_ =	shalt  }
0x81: {  	_ =	shalt  }
0x82: {  	_ =	shalt  }
0x83: {  	_ =	shalt  }
0x84: {  	_ =	shalt  }
0x85: {  	_ =	shalt  }
0x86: {  	_ =	shalt  }
0x87: {  	_ =	shalt  }
.Lfunc_end0:
.L_simem_size_0:
called_computation.2_lowered:
.L_overlay_start_0:
0x88: {  	s2 =	sld [smem:$0x3FD9]  }
0x89: {  	s3 =	sld [smem:$0x3FFE];
	_ =	sdelay $0x1  }
0x8a: {  	s1 =	srdreg.scid  }
0x8b: {  	s0 =	sand.u32 $0x1, s1  }
0x8c: {  	s16 =	sshll.u32 s0, $0xA;
	s2 =	sadd.s32 s3, s2  }
0x8d: {  	s2 =	sadd.s32 s2, s16  }
0x8e: {  	[smem:$0x3FBE] =	sst s2  }
0x8f: {  	_ = 	snop  }
0x90: {  	(tm) =	ssettm $0x1  }
0x91: {  	s17 =	sld [smem:$0x3FFB];
	_ =	sdelay $0x3  }
0x92: {  	_ =	strace s17  }
0x93: {  	s2 =	sld [smem:$0x3FFC];
	_ =	sdelay $0x3  }
0x94: {  	_ =	strace s2  }
0x95: {  	s2 =	sld [smem:$0x3FFD];
	_ =	sdelay $0x3  }
0x96: {  	_ =	strace s2  }
0x97: {  	_ =	strace $0x8FFFFFFF  }
0x98: {  	s18 =	sld [smem:$0x3FDB];
	_ =	sdelay $0x1  }
0x99: {  	s19 =	simm.s32 $_scs_section_size  }
0x9a: {  	s4 =	simm.s32 $_size__tile_overlayer_lowered;
	s5 =	simm.s32 $_tile_overlayer_lowered  }
0x9b: {  	s22 =	simm.s32 $0x1BFF;
	s21 =	sshll.u32 s5, $0x1;
	s2 =	sadd.s32 s19, s18  }
0x9c: {  	s6 =	simm.s32 $0x0;
	s20 =	sshll.u32 s4, $0x1;
	s4 =	sadd.s32 s21, s2  }
0x9d: {  	[timem:s6], [sflag:s22] =	dma.local [hbm:s4], s20  }
0x9e: {  	_ =	swait.ge [sflag:s22], s20  }
0x9f: {  	s3 =	ssub.s32 $0x0, s20;
	[sflag:s22] =	ssyncset.done $0x0  }
0xa0: {  	[sflag:s22] =	ssyncadd.s32 s3;
	_ =	sdelay $0x1  }
0xa1: {  	s23 =	simm.s32 $0x1B8B  }
0xa2: {  	_ =	swait.ge [sflag:s23], $0x1  }
0xa3: {  	[sflag:s23] =	ssyncset.done $0x0  }
0xa4: {  	s25 =	simm.s32 $0x1B8E;
	s24 =	sld [smem:$0x3FFE];
	[sflag:s23] =	ssyncadd.s32 $0xFFFFFFFF  }
0xa5: {  	s26 =	simm.s32 $execute0_lowered;
	[smem:$0x3FD2] =	sst s25  }
0xa6: {  	s4 =	sshll.u32 s26, $0x1;
	_ =	strace $0x8000004C;
	[dreg:$0x1] =	wrdreg $0xFFFFFFFF  }
0xa7: {  	s28 =	simm.s32 $_size_execute0_lowered;
	s2 =	sadd.s32 s2, s4;
	[dreg:$0x0] =	wrdreg $0x0  }
0xa8: {  	s4 =	sshll.u32 s28, $0x1;
	[dreg:$0x2] =	wrdreg s2  }
0xa9: {  	[dreg:$0x3] =	wrdreg s4  }
0xaa: {  	[dreg:$0x4] =	wrdreg $0xC0  }
0xab: {  	_ =	task [dreg:s6], $0x5FFFF  }
0xac: {  	[dreg:$0x1] =	wrdreg $0xFFFFFFFF  }
0xad: {  	[dreg:$0x0] =	wrdreg $0x60  }
0xae: {  	[dreg:$0x2] =	wrdreg s24  }
0xaf: {  	[dreg:$0x3] =	wrdreg $0x90000  }
0xb0: {  	[dreg:$0x4] =	wrdreg $0x9  }
0xb1: {  	_ =	task.clear_ibuf [dreg:s6], $0x5FFFF;
	_ =	strace $0x9000004C  }
0xb2: {  	s29 =	simm.s32 $0x9;
	_ =	strace $0x8000004E  }
0xb3: {  	_ =	swait.ge [sflag:s29], $0x1  }
0xb4: {  	[sflag:s29] =	ssyncadd.s32 $0xFFFFFFFF  }
0xb5: {  	_ =	strace $0x9000004E  }
0xb6: {  	_ =	sfence  }
0xb7: {  	s30 =	sld [smem:$0x0];
	_ =	sdelay $0x2  }
0xb8: {  	s31 =	sshll.u32 s1, $0xD;
	s1 =	sshrl.u32 s1, $0x2  }
0xb9: {  	s3 =	sand.u32 $0x4000, s31;
	s1 =	sadd.s32 s1, s30  }
0xba: {  	s0 =	sor.u32 s3, s0;
	s1 =	sshll.u32 s1, $0x11  }
0xbb: {  	s0 =	sor.u32 s1, s0  }
0xbc: {  	s0 =	sadd.s32 $0x8F2B, s0  }
0xbd: {  	[sflag:s0] =	ssyncadd.remote.s32 $0x1  }
0xbe: {  	_ =	sfence.sel $0xFFFF  }
0xbf: {  	[dreg:$0x0] =	wrdreg $0xFFFFFFFF;
	(pc) =	sbr.abs _section_cstart, $3  }
0xc0: {  	[dreg:$0x1] =	wrdreg $0xFFFFFFFF  }
0xc1: {  	_ =	task.clear_ibuf [dreg:s6], $0x2FFFF;
	_ =	strace $0x9FFFFFFF  }
0xc2: {  	(tm) =	ssettm $0x7FFFFFFF  }
0xc3: {  	_ =	shalt  }
tec
execute0_lowered:
.L_overlay_start_1:
0x0: {  	(tag) =	ssettag $0x1  }
0x1: {  	s7 =	rddreg [dreg:$0x0]  }
0x2: {  	s0 =	srdreg.scid;
	s2 =	rddreg [dreg:$0x1]  }
0x3: {  	s3 =	simm.s32 $0x0;
	s14 =	simm.s32 $0x80;
	s15 =	simm.s32 $0x5000  }
0x4: {  	s16 =	simm.s32 $0x1;
	s6 =	sand.u32 $0x1, s0;
	s0 =	stileid.u32  }
0x5: {  	s17 =	simm.s32 $0x0;
	[smem:$0x7FF] =	sst s3;
	s8 =	smul.u32 $0x140000, s6  }
0x6: {  	s4 =	sadd.s32 $0x17000, s7;
	s1 =	sshll.u32 s6, $0x4;
	s9 =	smul.u32 $0x14000, s0  }
0x7: {  	s28 =	smul.u32 $0x50000, s0;
	s6 =	ssub.s32 $0x2, s6;
	s1 =	sor.u32 s0, s1  }
0x8: {  	s31 =	sshll.u32 s0, $0x6;
	s29 =	sshrl.u32 s6, $0x1;
	s5 =	smul.u32 $0x500, s1  }
0x9: {  	s1 =	rddreg [dreg:$0x2];
	_ =	strace $0x8000004D;
	s8 =	sadd.s32 s9, s8  }
0xa: {  	s30 =	sshrl.u32 s28, $0x2;
	s12 =	ssub.s32 s6, s29;
	s6 =	sor.u32 $0x1C02, s31  }
0xb: {  	s8 =	sshrl.u32 s8, $0x3;
	s13 =	sadd.s32 s30, s2;
	s10 =	sadd.s32 s5, s7  }
0xc: {  	s5 =	sadd.s32 $0x3F000, s7;
	s11 =	sadd.s32 s8, s7;
	s7 =	sadd.s32 $0x3000, s10  }
0xd: {  	s8 =	sadd.s32 $0xD000, s10;
	s9 =	sadd.s32 $0x41800, s11;
	s10 =	smax.u32 s12, $0x1  }
0xe: {  	s11 =	sshrl.u32 s13, $0x3;
	s12 =	simm.s32 $0x2;
	s13 =	simm.s32 $0x2800  }
.LBB2_1:
0xf: {  	[spmem:s11], [sflag:s6] =	dma.local [hbm:s5], $0x2800  }
0x10: {  	_ =	swait.ge [sflag:s12], $0x2800  }
0x11: {  	[sflag:s12] =	ssyncset.done $0x0  }
0x12: {  	[sflag:s12] =	ssyncadd.s32 $0xFFFFD800  }
0x13: {  	[tilespmem:s3], [sflag:$0x2] =	stream.linear.gather [hbm4b:s7+s3], $0x2780, $0x38;
	[tilespmem:$0x1D000] =	vst v63  }
0x14: {  	_ =	swait.ge [sflag:s12], $0x2780  }
0x15: {  	[sflag:s12] =	ssyncset.done $0x0  }
0x16: {  	[sflag:s12] =	ssyncadd.s32 $0xFFFFD880  }
0x17: {  	[tilespmem:s13], [sflag:$0x2] =	stream.linear.gather [hbm4b:s8+s3], $0x2780, $0x38;
	[tilespmem:$0x1D000] =	vst v63  }
0x18: {  	_ =	swait.ge [sflag:s12], $0x2780  }
0x19: {  	[sflag:s12] =	ssyncset.done $0x0  }
0x1a: {  	[sflag:s12] =	ssyncadd.s32 $0xFFFFD880  }
0x1b: {  	s18 =	simm.s32 $0x0;
	[bflag:$0x0] =	sbarrier.arrive $0xFFFF  }
0x1c: {  	[tilespmem:s15], [sflag:$0x1] =	stream.indirect.gather [hbm4b:s4+s14], $0x80, s18, s14, $0xb8;
	[tilespmem:$0x1D000] =	vst v63  }
0x1d: {  	_ =	swait.ge [sflag:s16], $0x4000  }
0x1e: {  	[sflag:s16] =	ssyncset.done $0x0  }
0x1f: {  	s31 =	simm.s32 $0x2800;
	[sflag:s16] =	ssyncadd.s32 $0xFFFFC000  }
0x20: {  	[spmem:s2] =	stream.indirect.scatter.add.f32 [tilespmem:s15], [sflag:$0x2], $0x80, s31, s14, $0xb8;
	[tilespmem:$0x1D000] =	vst v63  }
0x21: {  	_ =	swait.ge [sflag:s12], $0x4000  }
0x22: {  	s19 =	simm.s32 $0x400;
	s18 =	simm.s32 $0x200;
	[sflag:s12] =	ssyncset.done $0x0  }
.LBB2_2:
0x23: {  	s20 =	sshra.s32 s18, $0x2  }
0x24: {  	[sflag:s12] =	ssyncadd.s32 $0xFFFFC000;
	s18 =	smov.u32 s19;
	s21 =	sadd.s32 $0x200, s19  }
0x25: {  	[tilespmem:s15], [sflag:$0x1] =	stream.indirect.gather [hbm4b:s4+s14], $0x80, s20, s14, $0xb8;
	[tilespmem:$0x1D000] =	vst v63  }
0x26: {  	p0 =	sne.s32 s19, $0x9C00;
	_ =	swait.ge [sflag:s16], $0x4000  }
.Ltmp0:
0x27: {  	[sflag:s16] =	ssyncset.done $0x0;
	(pc) =	sbr.rel @p0 .LBB2_2-.Ltmp0, $4  }
0x28: {  	s19 =	sadd.s32 $0x2800, s20;
	[sflag:s16] =	ssyncadd.s32 $0xFFFFC000  }
0x29: {  	[spmem:s2] =	stream.indirect.scatter.add.f32 [tilespmem:s15], [sflag:$0x2], $0x80, s19, s14, $0xb8;
	[tilespmem:$0x1D000] =	vst v63  }
0x2a: {  	_ =	swait.ge [sflag:s12], $0x4000  }
0x2b: {  	s19 =	smov.u32 s21;
	[sflag:s12] =	ssyncset.done $0x0  }
0x2c: {  	s18 =	sshra.s32 s18, $0x2;
	[sflag:s12] =	ssyncadd.s32 $0xFFFFC000  }
0x2d: {  	[tilespmem:s15], [sflag:$0x1] =	stream.indirect.gather [hbm4b:s4+s14], $0x80, s18, s14, $0xb8;
	[tilespmem:$0x1D000] =	vst v63  }
0x2e: {  	_ =	swait.ge [sflag:s16], $0x4000  }
0x2f: {  	[sflag:s16] =	ssyncset.done $0x0  }
0x30: {  	s18 =	sadd.s32 $0x2800, s18;
	[sflag:s16] =	ssyncadd.s32 $0xFFFFC000  }
0x31: {  	[spmem:s2] =	stream.indirect.scatter.add.f32 [tilespmem:s15], [sflag:$0x2], $0x80, s18, s14, $0xb8;
	[tilespmem:$0x1D000] =	vst v63  }
0x32: {  	_ =	swait.ge [sflag:s12], $0x4000  }
0x33: {  	s17 =	sadd.s32 $0x1, s17;
	[sflag:s12] =	ssyncset.done $0x0  }
0x34: {  	p0 =	sne.s32 s17, s10;
	[sflag:s12] =	ssyncadd.s32 $0xFFFFC000  }
.Ltmp1:
0x35: {  	[bflag:$0x0] =	sbarrier.arrive $0xFFFF;
	(pc) =	sbr.rel @p0 .LBB2_1-.Ltmp1, $4  }
0x36: {  	[hbm:s9], [sflag:s6] =	dma.local [spmem:s11], $0x2800  }
0x37: {  	_ =	swait.ge [sflag:s12], $0x2800  }
0x38: {  	[sflag:s12] =	ssyncset.done $0x0  }
0x39: {  	[sflag:s12] =	ssyncadd.s32 $0xFFFFD800  }
0x3a: {  	_ =	sfence.sel $0x180000  }
0x3b: {  	[bflag:$0x0] =	sbarrier.arrive $0xFFFF  }
0x3c: {  	p0 =	sne.s32 s0, $0x0;
	_ =	strace $0x9000004D  }
0x3d: {  	s0 =	sadd.s32 @!p0 $0x100000, s1;
	[bflag:$0x2] =	sbarrier.arrive $0xFFFF  }
0x3e: {  	[sflag:s0] =	ssyncadd.tile.s32 @!p0 $0x1;
	_ =	shalt  }
.Lfunc_end2:
_tile_overlayer_lowered:
.L_overlay_start_2:
0x3f: {  	(tag) =	ssettag $0x2  }
0x40: {  	s0 =	rddreg [dreg:$0x0];
	s2 =	stileid.u32  }
0x41: {  	s1 =	rddreg [dreg:$0x1];
	p0 =	sne.s32 s2, $0x0  }
0x42: {  	s3 =	rddreg [dreg:$0x2];
	[bflag:$0x3] =	sbarrier.arrive $0xFFFF;
	s2 =	simm.s32 @!p0 $0x1C02  }
0x43: {  	[timem:s3], [sflag:s2] =	dma.local @!p0 [hbm:s0], s1  }
0x44: {  	s0 =	simm.s32 @!p0 $0x2  }
0x45: {  	_ =	swait.ge @!p0 [sflag:s0], s1  }
0x46: {  	s1 =	ssub.s32 @!p0 $0x0, s1;
	[sflag:s0] =	ssyncset.done @!p0 $0x0  }
0x47: {  	[sflag:s0] =	ssyncadd.s32 @!p0 s1  }
0x48: {  	[bflag:$0x3] =	sbarrier.arrive $0xFFFF  }
0x49: {  	_ =	shalt  }

// kernel: kernel.20.cloned.1.call-start
scs
__scs_entry_jumppad:
0x0: {  	(pc) =	sbr.rel $0x88, $3  }
0x1: {  	(tag) =	ssettag $0x0;
	lr =	simm.s32 $0x1  }
0x2: {  	[smem:$0x3F97] =	sst lr;
	_ =	strace $0xD0000000  }
0x3: {  	_ = 	snop  }
0x4: {  	_ = 	snop  }
0x5: {  	_ = 	snop  }
0x6: {  	_ = 	snop  }
0x7: {  	_ = 	snop  }
__scs_overlays_trampoline_lowered:
0x8: {  	[smem:$0x3FA6] =	sst s0  }
0x9: {  	[smem:$0x3FA7] =	sst s1  }
0xa: {  	[smem:$0x3FA8] =	sst s2  }
0xb: {  	[smem:$0x3FA9] =	sst s3  }
0xc: {  	[smem:$0x3FAA] =	sst s4  }
0xd: {  	[smem:$0x3FAB] =	sst s5  }
0xe: {  	[smem:$0x3FAC] =	sst s6  }
0xf: {  	[smem:$0x3FAD] =	sst s7  }
0x10: {  	[smem:$0x3FAE] =	sst s8  }
0x11: {  	[smem:$0x3FAF] =	sst s9;
	s0 =	simm.s32 @!p0 $0x0  }
0x12: {  	s1 =	sld [smem:$0x3F95];
	s0 =	simm.s32 @p0 $0x1  }
0x13: {  	[smem:$0x3FB0] =	sst s0;
	s0 =	simm.s32 @!p1 $0x0  }
0x14: {  	s2 =	sld [smem:$0x3F94];
	s0 =	simm.s32 @p1 $0x1  }
0x15: {  	[smem:$0x3FB1] =	sst s0;
	s0 =	simm.s32 @!p2 $0x0  }
0x16: {  	s3 =	sld [smem:$0x3FDB];
	s0 =	simm.s32 @p2 $0x1  }
0x17: {  	s4 =	simm.s32 $0x1BF5;
	[smem:$0x3FB3] =	sst s0  }
0x18: {  	s0 =	sld [smem:$0x3F96];
	_ =	swait.ge [sflag:s4], $0x0  }
0x19: {  	s7 =	sld [smem:$0x3F97]  }
0x1a: {  	s8 =	sadd.s32 $0xFFFFE003, lr  }
0x1b: {  	s9 =	sadd.s32 $0xFFFFFEF7, lr;
	s5 =	simm.s32 $0xFFFFFFFF;
	p2 =	slt.u32 s8, $0xFFFFF086  }
0x1c: {  	p1 =	slt.u32 s9, $0xF7A;
	s5 =	simm.s32 @!p2 $0x0  }
0x1d: {  	s5 =	simm.s32 @p1 $0x1;
	p0 =	seq.s32 s7, s2  }
0x1e: {  	s7 =	smul.u32 @!p0 $0xF7A, s2;
	p2 =	seq.s32 @!p0 s5, $0x0  }
0x1f: {  	s9 =	smul.u32 $0xF7A, s1;
	s8 =	simm.s32 @!p0 $0x1BF5;
	p2 =	por !p2, p0  }
0x20: {  	[sflag:s8] =	ssyncset.s32 @!p0 $0xFFFFF086;
	s6 =	sadd.s32 @!p0 s3, s7;
	s7 =	simm.s32 @!p0 $0x108  }
0x21: {  	s3 =	sadd.s32 s3, s9;
	s6 =	sadd.s32 @!p0 $0x88, s6;
	s7 =	simm.s32 @p2 $0x1082  }
0x22: {  	[simem:s7], [sflag:s8] =	dma.local @!p0 [hbm:s6], $0xF7A  }
0x23: {  	s9 =	sor.u32 $0xD0000000, s2;
	s6 =	simm.s32 $0x108;
	_ =	swait.ge @!p0 [sflag:s8], $0x0  }
0x24: {  	s3 =	sadd.s32 $0x88, s3;
	s6 =	simm.s32 @!p1 $0x1082;
	[sflag:s4] =	ssyncset.s32 $0xFFFFF086  }
0x25: {  	[simem:s6], [sflag:s4] =	dma.local [hbm:s3], $0xF7A  }
0x26: {  	[smem:$0x3F97] =	sst s1;
	(tag) =	ssettag s2;
	_ =	strace s9  }
0x27: {  	s1 =	sld [smem:$0x3FA7]  }
0x28: {  	s2 =	sld [smem:$0x3FA8]  }
0x29: {  	s4 =	sld [smem:$0x3FAA]  }
0x2a: {  	p0 =	seq.s32 s5, $0x0;
	s5 =	sld [smem:$0x3FAB]  }
0x2b: {  	s6 =	sld [smem:$0x3FAC]  }
0x2c: {  	s7 =	sld [smem:$0x3FAD]  }
0x2d: {  	s3 =	simm.s32 $0x108;
	s8 =	sld [smem:$0x3FAE]  }
0x2e: {  	s3 =	simm.s32 @!p0 $0x1082;
	s9 =	sld [smem:$0x3FAF]  }
0x2f: {  	lr =	sadd.s32 s0, s3;
	s0 =	sld [smem:$0x3FA6]  }
0x30: {  	s3 =	sld [smem:$0x3FA9]  }
0x31: {  	[smem:$0x3FB2] =	sst s10  }
0x32: {  	s10 =	sld [smem:$0x3FB0];
	_ =	sdelay $0x3  }
0x33: {  	p0 =	seq.s32 s10, $0x1;
	s10 =	sld [smem:$0x3FB2];
	_ =	sdelay $0x3  }
0x34: {  	[smem:$0x3FB2] =	sst s10  }
0x35: {  	s10 =	sld [smem:$0x3FB1];
	_ =	sdelay $0x3  }
0x36: {  	p1 =	seq.s32 s10, $0x1;
	s10 =	sld [smem:$0x3FB2];
	_ =	sdelay $0x3  }
0x37: {  	[smem:$0x3FB2] =	sst s10  }
0x38: {  	s10 =	sld [smem:$0x3FB3]  }
0x39: {  	_ = 	snop;
	(pc) =	sbr.ind lr, $3  }
0x3a: {  	_ = 	snop  }
0x3b: {  	_ = 	snop  }
0x3c: {  	p2 =	seq.s32 s10, $0x1;
	s10 =	sld [smem:$0x3FB2]  }
0x3d: {  	_ =	shalt  }
0x3e: {  	_ =	shalt  }
0x3f: {  	_ =	shalt  }
0x40: {  	_ =	shalt  }
0x41: {  	_ =	shalt  }
0x42: {  	_ =	shalt  }
0x43: {  	_ =	shalt  }
0x44: {  	_ =	shalt  }
0x45: {  	_ =	shalt  }
0x46: {  	_ =	shalt  }
0x47: {  	_ =	shalt  }
0x48: {  	_ =	shalt  }
0x49: {  	_ =	shalt  }
0x4a: {  	_ =	shalt  }
0x4b: {  	_ =	shalt  }
0x4c: {  	_ =	shalt  }
0x4d: {  	_ =	shalt  }
0x4e: {  	_ =	shalt  }
0x4f: {  	_ =	shalt  }
0x50: {  	_ =	shalt  }
0x51: {  	_ =	shalt  }
0x52: {  	_ =	shalt  }
0x53: {  	_ =	shalt  }
0x54: {  	_ =	shalt  }
0x55: {  	_ =	shalt  }
0x56: {  	_ =	shalt  }
0x57: {  	_ =	shalt  }
0x58: {  	_ =	shalt  }
0x59: {  	_ =	shalt  }
0x5a: {  	_ =	shalt  }
0x5b: {  	_ =	shalt  }
0x5c: {  	_ =	shalt  }
0x5d: {  	_ =	shalt  }
0x5e: {  	_ =	shalt  }
0x5f: {  	_ =	shalt  }
0x60: {  	_ =	shalt  }
0x61: {  	_ =	shalt  }
0x62: {  	_ =	shalt  }
0x63: {  	_ =	shalt  }
0x64: {  	_ =	shalt  }
0x65: {  	_ =	shalt  }
0x66: {  	_ =	shalt  }
0x67: {  	_ =	shalt  }
0x68: {  	_ =	shalt  }
0x69: {  	_ =	shalt  }
0x6a: {  	_ =	shalt  }
0x6b: {  	_ =	shalt  }
0x6c: {  	_ =	shalt  }
0x6d: {  	_ =	shalt  }
0x6e: {  	_ =	shalt  }
0x6f: {  	_ =	shalt  }
0x70: {  	_ =	shalt  }
0x71: {  	_ =	shalt  }
0x72: {  	_ =	shalt  }
0x73: {  	_ =	shalt  }
0x74: {  	_ =	shalt  }
0x75: {  	_ =	shalt  }
0x76: {  	_ =	shalt  }
0x77: {  	_ =	shalt  }
0x78: {  	_ =	shalt  }
0x79: {  	_ =	shalt  }
0x7a: {  	_ =	shalt  }
0x7b: {  	_ =	shalt  }
0x7c: {  	_ =	shalt  }
0x7d: {  	_ =	shalt  }
0x7e: {  	_ =	shalt  }
0x7f: {  	_ =	shalt  }
0x80: {  	_ =	shalt  }
0x81: {  	_ =	shalt  }
0x82: {  	_ =	shalt  }
0x83: {  	_ =	shalt  }
0x84: {  	_ =	shalt  }
0x85: {  	_ =	shalt  }
0x86: {  	_ =	shalt  }
0x87: {  	_ =	shalt  }
.Lfunc_end0:
.L_simem_size_0:
called_computation.3_lowered:
.L_overlay_start_0:
0x88: {  	s2 =	sld [smem:$0x3FD9]  }
0x89: {  	s3 =	sld [smem:$0x3FFE];
	_ =	sdelay $0x1  }
0x8a: {  	s1 =	srdreg.scid  }
0x8b: {  	s0 =	sand.u32 $0x1, s1  }
0x8c: {  	s16 =	sshll.u32 s0, $0xA;
	s2 =	sadd.s32 s3, s2  }
0x8d: {  	s2 =	sadd.s32 s2, s16  }
0x8e: {  	[smem:$0x3FBE] =	sst s2  }
0x8f: {  	_ = 	snop  }
0x90: {  	(tm) =	ssettm $0x1  }
0x91: {  	s17 =	sld [smem:$0x3FFB];
	_ =	sdelay $0x3  }
0x92: {  	_ =	strace s17  }
0x93: {  	s2 =	sld [smem:$0x3FFC];
	_ =	sdelay $0x3  }
0x94: {  	_ =	strace s2  }
0x95: {  	s2 =	sld [smem:$0x3FFD];
	_ =	sdelay $0x3  }
0x96: {  	_ =	strace s2  }
0x97: {  	_ =	strace $0x8FFFFFFF  }
0x98: {  	s18 =	sld [smem:$0x3FDB];
	_ =	sdelay $0x1  }
0x99: {  	s19 =	simm.s32 $_scs_section_size  }
0x9a: {  	s4 =	simm.s32 $_size__tile_overlayer_lowered;
	s5 =	simm.s32 $_tile_overlayer_lowered  }
0x9b: {  	s22 =	simm.s32 $0x1BFF;
	s21 =	sshll.u32 s5, $0x1;
	s2 =	sadd.s32 s19, s18  }
0x9c: {  	s6 =	simm.s32 $0x0;
	s20 =	sshll.u32 s4, $0x1;
	s4 =	sadd.s32 s21, s2  }
0x9d: {  	[timem:s6], [sflag:s22] =	dma.local [hbm:s4], s20  }
0x9e: {  	_ =	swait.ge [sflag:s22], s20  }
0x9f: {  	s3 =	ssub.s32 $0x0, s20;
	[sflag:s22] =	ssyncset.done $0x0  }
0xa0: {  	[sflag:s22] =	ssyncadd.s32 s3;
	_ =	sdelay $0x1  }
0xa1: {  	s23 =	simm.s32 $0x1B8B  }
0xa2: {  	_ =	swait.ge [sflag:s23], $0x1  }
0xa3: {  	[sflag:s23] =	ssyncset.done $0x0  }
0xa4: {  	s25 =	simm.s32 $0x1B8E;
	s24 =	sld [smem:$0x3FFE];
	[sflag:s23] =	ssyncadd.s32 $0xFFFFFFFF  }
0xa5: {  	s26 =	simm.s32 $execute0_lowered;
	[smem:$0x3FD2] =	sst s25  }
0xa6: {  	s4 =	sshll.u32 s26, $0x1;
	_ =	strace $0x8000004F;
	[dreg:$0x1] =	wrdreg $0xFFFFFFFF  }
0xa7: {  	s28 =	simm.s32 $_size_execute0_lowered;
	s2 =	sadd.s32 s2, s4;
	[dreg:$0x0] =	wrdreg $0x0  }
0xa8: {  	s4 =	sshll.u32 s28, $0x1;
	[dreg:$0x2] =	wrdreg s2  }
0xa9: {  	[dreg:$0x3] =	wrdreg s4  }
0xaa: {  	[dreg:$0x4] =	wrdreg $0xC0  }
0xab: {  	_ =	task [dreg:s6], $0x5FFFF  }
0xac: {  	[dreg:$0x1] =	wrdreg $0xFFFFFFFF  }
0xad: {  	[dreg:$0x0] =	wrdreg $0x60  }
0xae: {  	[dreg:$0x2] =	wrdreg s24  }
0xaf: {  	[dreg:$0x3] =	wrdreg $0x90000  }
0xb0: {  	[dreg:$0x4] =	wrdreg $0x9  }
0xb1: {  	_ =	task.clear_ibuf [dreg:s6], $0x5FFFF;
	_ =	strace $0x9000004F  }
0xb2: {  	s29 =	simm.s32 $0x9;
	_ =	strace $0x80000051  }
0xb3: {  	_ =	swait.ge [sflag:s29], $0x1  }
0xb4: {  	[sflag:s29] =	ssyncadd.s32 $0xFFFFFFFF  }
0xb5: {  	_ =	strace $0x90000051  }
0xb6: {  	_ =	sfence  }
0xb7: {  	s30 =	sld [smem:$0x0];
	_ =	sdelay $0x2  }
0xb8: {  	s31 =	sshll.u32 s1, $0xD;
	s1 =	sshrl.u32 s1, $0x2  }
0xb9: {  	s3 =	sand.u32 $0x4000, s31;
	s1 =	sadd.s32 s1, s30  }
0xba: {  	s0 =	sor.u32 s3, s0;
	s1 =	sshll.u32 s1, $0x11  }
0xbb: {  	s0 =	sor.u32 s1, s0  }
0xbc: {  	s0 =	sadd.s32 $0x8F2B, s0  }
0xbd: {  	[sflag:s0] =	ssyncadd.remote.s32 $0x1  }
0xbe: {  	_ =	sfence.sel $0xFFFF  }
0xbf: {  	[dreg:$0x0] =	wrdreg $0xFFFFFFFF;
	(pc) =	sbr.abs _section_cstart, $3  }
0xc0: {  	[dreg:$0x1] =	wrdreg $0xFFFFFFFF  }
0xc1: {  	_ =	task.clear_ibuf [dreg:s6], $0x2FFFF;
	_ =	strace $0x9FFFFFFF  }
0xc2: {  	(tm) =	ssettm $0x7FFFFFFF  }
0xc3: {  	_ =	shalt  }
tec
execute0_lowered:
.L_overlay_start_1:
0x0: {  	(tag) =	ssettag $0x1  }
0x1: {  	s7 =	rddreg [dreg:$0x0]  }
0x2: {  	s0 =	srdreg.scid;
	s2 =	rddreg [dreg:$0x1]  }
0x3: {  	s3 =	simm.s32 $0x0;
	s14 =	simm.s32 $0x80;
	s15 =	simm.s32 $0x5000  }
0x4: {  	s16 =	simm.s32 $0x1;
	s6 =	sand.u32 $0x1, s0;
	s0 =	stileid.u32  }
0x5: {  	s17 =	simm.s32 $0x0;
	[smem:$0x7FF] =	sst s3;
	s8 =	smul.u32 $0x140000, s6  }
0x6: {  	s4 =	sadd.s32 $0x17000, s7;
	s1 =	sshll.u32 s6, $0x4;
	s9 =	smul.u32 $0x14000, s0  }
0x7: {  	s28 =	smul.u32 $0x50000, s0;
	s6 =	ssub.s32 $0x2, s6;
	s1 =	sor.u32 s0, s1  }
0x8: {  	s31 =	sshll.u32 s0, $0x6;
	s29 =	sshrl.u32 s6, $0x1;
	s5 =	smul.u32 $0x500, s1  }
0x9: {  	s1 =	rddreg [dreg:$0x2];
	_ =	strace $0x80000050;
	s8 =	sadd.s32 s9, s8  }
0xa: {  	s30 =	sshrl.u32 s28, $0x2;
	s12 =	ssub.s32 s6, s29;
	s6 =	sor.u32 $0x1C02, s31  }
0xb: {  	s8 =	sshrl.u32 s8, $0x3;
	s13 =	sadd.s32 s30, s2;
	s10 =	sadd.s32 s5, s7  }
0xc: {  	s5 =	sadd.s32 $0x3F000, s7;
	s11 =	sadd.s32 s8, s7;
	s7 =	sadd.s32 $0x3000, s10  }
0xd: {  	s8 =	sadd.s32 $0xD000, s10;
	s9 =	sadd.s32 $0x41800, s11;
	s10 =	smax.u32 s12, $0x1  }
0xe: {  	s11 =	sshrl.u32 s13, $0x3;
	s12 =	simm.s32 $0x2;
	s13 =	simm.s32 $0x2800  }
.LBB2_1:
0xf: {  	[spmem:s11], [sflag:s6] =	dma.local [hbm:s5], $0x2800  }
0x10: {  	_ =	swait.ge [sflag:s12], $0x2800  }
0x11: {  	[sflag:s12] =	ssyncset.done $0x0  }
0x12: {  	[sflag:s12] =	ssyncadd.s32 $0xFFFFD800  }
0x13: {  	[tilespmem:s3], [sflag:$0x2] =	stream.linear.gather [hbm4b:s7+s3], $0x2780, $0x38;
	[tilespmem:$0x1D000] =	vst v63  }
0x14: {  	_ =	swait.ge [sflag:s12], $0x2780  }
0x15: {  	[sflag:s12] =	ssyncset.done $0x0  }
0x16: {  	[sflag:s12] =	ssyncadd.s32 $0xFFFFD880  }
0x17: {  	[tilespmem:s13], [sflag:$0x2] =	stream.linear.gather [hbm4b:s8+s3], $0x2780, $0x38;
	[tilespmem:$0x1D000] =	vst v63  }
0x18: {  	_ =	swait.ge [sflag:s12], $0x2780  }
0x19: {  	[sflag:s12] =	ssyncset.done $0x0  }
0x1a: {  	[sflag:s12] =	ssyncadd.s32 $0xFFFFD880  }
0x1b: {  	s18 =	simm.s32 $0x0;
	[bflag:$0x0] =	sbarrier.arrive $0xFFFF  }
0x1c: {  	[tilespmem:s15], [sflag:$0x1] =	stream.indirect.gather [hbm4b:s4+s14], $0x80, s18, s14, $0xb8;
	[tilespmem:$0x1D000] =	vst v63  }
0x1d: {  	_ =	swait.ge [sflag:s16], $0x4000  }
0x1e: {  	[sflag:s16] =	ssyncset.done $0x0  }
0x1f: {  	s31 =	simm.s32 $0x2800;
	[sflag:s16] =	ssyncadd.s32 $0xFFFFC000  }
0x20: {  	[spmem:s2] =	stream.indirect.scatter.add.f32 [tilespmem:s15], [sflag:$0x2], $0x80, s31, s14, $0xb8;
	[tilespmem:$0x1D000] =	vst v63  }
0x21: {  	_ =	swait.ge [sflag:s12], $0x4000  }
0x22: {  	s19 =	simm.s32 $0x400;
	s18 =	simm.s32 $0x200;
	[sflag:s12] =	ssyncset.done $0x0  }
.LBB2_2:
0x23: {  	s20 =	sshra.s32 s18, $0x2  }
0x24: {  	[sflag:s12] =	ssyncadd.s32 $0xFFFFC000;
	s18 =	smov.u32 s19;
	s21 =	sadd.s32 $0x200, s19  }
0x25: {  	[tilespmem:s15], [sflag:$0x1] =	stream.indirect.gather [hbm4b:s4+s14], $0x80, s20, s14, $0xb8;
	[tilespmem:$0x1D000] =	vst v63  }
0x26: {  	p0 =	sne.s32 s19, $0x9C00;
	_ =	swait.ge [sflag:s16], $0x4000  }
.Ltmp0:
0x27: {  	[sflag:s16] =	ssyncset.done $0x0;
	(pc) =	sbr.rel @p0 .LBB2_2-.Ltmp0, $4  }
0x28: {  	s19 =	sadd.s32 $0x2800, s20;
	[sflag:s16] =	ssyncadd.s32 $0xFFFFC000  }
0x29: {  	[spmem:s2] =	stream.indirect.scatter.add.f32 [tilespmem:s15], [sflag:$0x2], $0x80, s19, s14, $0xb8;
	[tilespmem:$0x1D000] =	vst v63  }
0x2a: {  	_ =	swait.ge [sflag:s12], $0x4000  }
0x2b: {  	s19 =	smov.u32 s21;
	[sflag:s12] =	ssyncset.done $0x0  }
0x2c: {  	s18 =	sshra.s32 s18, $0x2;
	[sflag:s12] =	ssyncadd.s32 $0xFFFFC000  }
0x2d: {  	[tilespmem:s15], [sflag:$0x1] =	stream.indirect.gather [hbm4b:s4+s14], $0x80, s18, s14, $0xb8;
	[tilespmem:$0x1D000] =	vst v63  }
0x2e: {  	_ =	swait.ge [sflag:s16], $0x4000  }
0x2f: {  	[sflag:s16] =	ssyncset.done $0x0  }
0x30: {  	s18 =	sadd.s32 $0x2800, s18;
	[sflag:s16] =	ssyncadd.s32 $0xFFFFC000  }
0x31: {  	[spmem:s2] =	stream.indirect.scatter.add.f32 [tilespmem:s15], [sflag:$0x2], $0x80, s18, s14, $0xb8;
	[tilespmem:$0x1D000] =	vst v63  }
0x32: {  	_ =	swait.ge [sflag:s12], $0x4000  }
0x33: {  	s17 =	sadd.s32 $0x1, s17;
	[sflag:s12] =	ssyncset.done $0x0  }
0x34: {  	p0 =	sne.s32 s17, s10;
	[sflag:s12] =	ssyncadd.s32 $0xFFFFC000  }
.Ltmp1:
0x35: {  	[bflag:$0x0] =	sbarrier.arrive $0xFFFF;
	(pc) =	sbr.rel @p0 .LBB2_1-.Ltmp1, $4  }
0x36: {  	[hbm:s9], [sflag:s6] =	dma.local [spmem:s11], $0x2800  }
0x37: {  	_ =	swait.ge [sflag:s12], $0x2800  }
0x38: {  	[sflag:s12] =	ssyncset.done $0x0  }
0x39: {  	[sflag:s12] =	ssyncadd.s32 $0xFFFFD800  }
0x3a: {  	_ =	sfence.sel $0x180000  }
0x3b: {  	[bflag:$0x0] =	sbarrier.arrive $0xFFFF  }
0x3c: {  	p0 =	sne.s32 s0, $0x0;
	_ =	strace $0x90000050  }
0x3d: {  	s0 =	sadd.s32 @!p0 $0x100000, s1;
	[bflag:$0x2] =	sbarrier.arrive $0xFFFF  }
0x3e: {  	[sflag:s0] =	ssyncadd.tile.s32 @!p0 $0x1;
	_ =	shalt  }
.Lfunc_end2:
_tile_overlayer_lowered:
.L_overlay_start_2:
0x3f: {  	(tag) =	ssettag $0x2  }
0x40: {  	s0 =	rddreg [dreg:$0x0];
	s2 =	stileid.u32  }
0x41: {  	s1 =	rddreg [dreg:$0x1];
	p0 =	sne.s32 s2, $0x0  }
0x42: {  	s3 =	rddreg [dreg:$0x2];
	[bflag:$0x3] =	sbarrier.arrive $0xFFFF;
	s2 =	simm.s32 @!p0 $0x1C02  }
0x43: {  	[timem:s3], [sflag:s2] =	dma.local @!p0 [hbm:s0], s1  }
0x44: {  	s0 =	simm.s32 @!p0 $0x2  }
0x45: {  	_ =	swait.ge @!p0 [sflag:s0], s1  }
0x46: {  	s1 =	ssub.s32 @!p0 $0x0, s1;
	[sflag:s0] =	ssyncset.done @!p0 $0x0  }
0x47: {  	[sflag:s0] =	ssyncadd.s32 @!p0 s1  }
0x48: {  	[bflag:$0x3] =	sbarrier.arrive $0xFFFF  }
0x49: {  	_ =	shalt  }

</sc_bundles>
